<compile_context>
chip_gen: v7x
topology: tpu7x:2x2x1
jax: 0.10.2.dev20260603
libtpu: 0.0.44.dev20260713+nightly
codegen_flags: <defaults>
</compile_context>

<pallas_src>
import functools
import math

import jax
import jax.numpy as jnp
from jax import lax
from jax.experimental import pallas as pl
from jax.experimental.pallas import tpu as pltpu
from jax.experimental.pallas import tpu_sc as plsc

N = 25000
E = 400000
DF = 128
HC = 64
H = 2
DH = 32
OC = 16
W128 = 128

NC = 2
NS = 16
NW = NC * NS
CHUNK = 128
ROWS = (E + NW * CHUNK - 1) // (NW * CHUNK) * NW
E_PAD = ROWS * CHUNK
CPW = ROWS // NW

SCH = 64
NSCH = E_PAD // SCH
SPT = NSCH // NS

HALF = 12544
TROW = 12672
RPT = TROW // NS
DUMMY = 12600

f32 = jnp.float32



def _dense_body(x_ref, w_in_ref, b_in_ref, wa_ref, ba_ref, wb_ref, bb_ref,
                out_ref):
    h = jax.nn.relu(jnp.dot(x_ref[...], w_in_ref[...],
                            preferred_element_type=f32) + b_in_ref[...])
    a = jnp.dot(h, wa_ref[...], preferred_element_type=f32) + ba_ref[...]
    b = jnp.dot(h, wb_ref[...], preferred_element_type=f32) + bb_ref[...]
    out_ref[...] = jnp.concatenate([a, b], axis=1)


def _dense(x, w_in, b_in, wa, ba, wb, bb):
    nb = 5
    blk = N // nb
    full = lambda s: pl.BlockSpec(s, lambda i: (0,) * len(s))
    return pl.pallas_call(
        _dense_body,
        grid=(nb,),
        in_specs=[
            pl.BlockSpec((blk, DF), lambda i: (i, 0)),
            full((DF, HC)), full((1, HC)),
            full((HC, HC)), full((1, HC)),
            full((HC, HC)), full((1, HC)),
        ],
        out_specs=pl.BlockSpec((blk, W128), lambda i: (i, 0)),
        out_shape=jax.ShapeDtypeStruct((N, W128), f32),
    )(x, w_in, b_in.reshape(1, HC), wa, ba.reshape(1, HC), wb, bb.reshape(1, HC))


def _dot_body(qg_ref, kg_ref, sel_ref, st_ref, out_ref):
    prod = qg_ref[:, :HC] * kg_ref[:, :HC]
    ee = jnp.exp(jnp.dot(prod, sel_ref[...], preferred_element_type=f32))
    msg = kg_ref[:, HC:] * jnp.dot(ee, st_ref[...], preferred_element_type=f32)
    zpad = jnp.zeros((msg.shape[0], W128 - HC - H), f32)
    out_ref[...] = jnp.concatenate([msg, ee, zpad], axis=1)


def _edge_dot(qg, kg, sel, st):
    nb = 49
    blk = E_PAD // nb
    return pl.pallas_call(
        _dot_body,
        grid=(nb,),
        in_specs=[
            pl.BlockSpec((blk, W128), lambda i: (i, 0)),
            pl.BlockSpec((blk, W128), lambda i: (i, 0)),
            pl.BlockSpec((HC, H), lambda i: (0, 0)),
            pl.BlockSpec((H, HC), lambda i: (0, 0)),
        ],
        out_specs=pl.BlockSpec((blk, W128), lambda i: (i, 0)),
        out_shape=jax.ShapeDtypeStruct((E_PAD, W128), f32),
    )(qg, kg, sel, st)


def _final_body(acc_ref, q128_ref, st_ref, wa_ref, ba_ref, skip_ref,
                wo_ref, bo_ref, out_ref):
    msg = acc_ref[:, :HC]
    s = acc_ref[:, HC:HC + H]
    sb = jnp.dot(s, st_ref[...], preferred_element_type=f32)
    agg = msg / (sb + 1e-16)
    o = jnp.dot(jax.nn.gelu(agg), wa_ref[...], preferred_element_type=f32) + ba_ref[...]
    beta = jax.nn.sigmoid(skip_ref[0, 0])
    blend = beta * o + (1.0 - beta) * q128_ref[:, HC:]
    out_ref[...] = jnp.dot(blend, wo_ref[...], preferred_element_type=f32) + bo_ref[...]


def _final(acc, q128, st, wa, ba, skip, wo, bo):
    nb = 5
    blk = N // nb
    full = lambda s: pl.BlockSpec(s, lambda i: (0,) * len(s))
    return pl.pallas_call(
        _final_body,
        grid=(nb,),
        in_specs=[
            pl.BlockSpec((blk, W128), lambda i: (i, 0)),
            pl.BlockSpec((blk, W128), lambda i: (i, 0)),
            full((H, HC)),
            full((HC, HC)), full((1, HC)),
            full((1, 1)),
            full((HC, OC)), full((1, OC)),
        ],
        out_specs=pl.BlockSpec((blk, OC), lambda i: (i, 0)),
        out_shape=jax.ShapeDtypeStruct((N, OC), f32),
    )(acc, q128, st, wa, ba.reshape(1, HC), skip.reshape(1, 1),
      wo, bo.reshape(1, OC))



_MESH = plsc.VectorSubcoreMesh(core_axis_name="c", subcore_axis_name="s",
                               num_cores=NC, num_subcores=NS)


@functools.partial(
    pl.kernel,
    out_type=[jax.ShapeDtypeStruct((E_PAD, W128), f32)] * 2,
    mesh=_MESH,
    scratch_types=[
        pltpu.VMEM((CHUNK,), jnp.int32),
        pltpu.VMEM((CHUNK,), jnp.int32),
        pltpu.VMEM((CHUNK, W128), f32),
        pltpu.VMEM((CHUNK, W128), f32),
        pltpu.SemaphoreType.DMA,
    ],
)
def _sc_gather(q_hbm, kv_hbm, dstg_hbm, srcp_hbm, qg_hbm, kg_hbm,
               didx, sidx, qbuf, kbuf, sem):
    wid = lax.axis_index("s") * NC + lax.axis_index("c")

    def chunk(i, carry):
        r = wid * CPW + i
        pltpu.sync_copy(dstg_hbm.at[pl.ds(r * CHUNK, CHUNK)], didx)
        pltpu.sync_copy(srcp_hbm.at[pl.ds(r * CHUNK, CHUNK)], sidx)
        cq = pltpu.async_copy(q_hbm.at[didx], qbuf, sem)
        ck = pltpu.async_copy(kv_hbm.at[sidx], kbuf, sem)
        cq.wait()
        ck.wait()
        pltpu.sync_copy(qbuf, qg_hbm.at[pl.ds(r * CHUNK, CHUNK)])
        pltpu.sync_copy(kbuf, kg_hbm.at[pl.ds(r * CHUNK, CHUNK)])
        return carry

    lax.fori_loop(0, CPW, chunk, 0)


@functools.partial(
    pl.kernel,
    out_type=jax.ShapeDtypeStruct((NC * TROW, W128), f32),
    mesh=_MESH,
    scratch_types=[
        pltpu.VMEM((SCH,), jnp.int32),
        pltpu.VMEM((SCH,), jnp.int32),
        pltpu.VMEM((SCH, W128), f32),
        pltpu.VMEM_SHARED((TROW, W128), f32),
    ],
)
def _sc_scatter(rows_hbm, dsts_hbm, zeros_hbm, parts_hbm,
                didx, lidx, obuf, table):
    cid = lax.axis_index("c")
    sid = lax.axis_index("s")
    cbase = cid * HALF

    pltpu.sync_copy(zeros_hbm.at[pl.ds(sid * RPT, RPT)],
                    table.at[pl.ds(sid * RPT, RPT)])
    plsc.subcore_barrier()

    def chunk(i, carry):
        r0 = (sid * SPT + i) * SCH
        pltpu.sync_copy(dsts_hbm.at[pl.ds(r0, SCH)], didx)

        def group(g, c2):
            d = didx[pl.ds(g * 16, 16)]
            local = d - cbase
            owned = (local >= 0) & (local < HALF)
            lidx[pl.ds(g * 16, 16)] = jnp.where(owned, local, DUMMY)
            return c2

        lax.fori_loop(0, SCH // 16, group, 0)
        pltpu.sync_copy(rows_hbm.at[pl.ds(r0, SCH)], obuf)
        pltpu.sync_copy(obuf, table.at[lidx], add=True)
        return carry

    lax.fori_loop(0, SPT, chunk, 0)
    plsc.subcore_barrier()
    pltpu.sync_copy(table.at[pl.ds(sid * RPT, RPT)],
                    parts_hbm.at[pl.ds(cid * TROW + sid * RPT, RPT)])



def kernel(x_paper, x_author, edge_index_writes, edge_index_rev, params):
    del edge_index_rev
    P = params

    a_bd = jnp.zeros((HC, HC), f32)
    a_bd = a_bd.at[:DH, :DH].set(P['a_rel_writes'][0])
    a_bd = a_bd.at[DH:, DH:].set(P['a_rel_writes'][1])
    m_bd = jnp.zeros((HC, HC), f32)
    m_bd = m_bd.at[:DH, :DH].set(P['m_rel_writes'][0])
    m_bd = m_bd.at[DH:, DH:].set(P['m_rel_writes'][1])
    qscale = jnp.repeat(P['p_rel_writes'], DH) / math.sqrt(float(DH))

    wk_eff = P['Wk_author'] @ a_bd
    bk_eff = P['bk_author'] @ a_bd
    wv_eff = P['Wv_author'] @ m_bd
    bv_eff = P['bv_author'] @ m_bd
    wq_eff = P['Wq_paper'] * qscale[None, :]
    bq_eff = P['bq_paper'] * qscale

    kv = _dense(x_author, P['W_in_author'], P['b_in_author'],
                wk_eff, bk_eff, wv_eff, bv_eff)
    q128 = _dense(x_paper, P['W_in_paper'], P['b_in_paper'],
                  wq_eff, bq_eff,
                  jnp.eye(HC, dtype=f32), jnp.zeros((HC,), f32))

    src = edge_index_writes[0].astype(jnp.int32)
    dst = edge_index_writes[1].astype(jnp.int32)
    pad = E_PAD - E
    srcp = jnp.concatenate([src, jnp.zeros((pad,), jnp.int32)])
    dstg = jnp.concatenate([dst, jnp.zeros((pad,), jnp.int32)])
    dsts = jnp.concatenate([dst, jnp.full((pad,), N, jnp.int32)])

    qg, kg = _sc_gather(q128, kv, dstg, srcp)

    sel = jnp.repeat(jnp.eye(H, dtype=f32), DH, axis=0)
    st = jnp.repeat(jnp.eye(H, dtype=f32), DH, axis=1)
    rows = _edge_dot(qg, kg, sel, st)

    parts = _sc_scatter(rows, dsts, jnp.zeros((TROW, W128), f32))
    acc = jnp.concatenate([parts[:HALF], parts[TROW:TROW + (N - HALF)]])

    out = _final(acc, q128, st, P['Wa_paper'], P['ba_paper'],
                 P['skip_paper'], P['W_out'], P['b_out'])
    return out

# --- scband reference (transcript-rebuilt; emitter-appended) ---
"""Pipeline reference for scband-hgt-39238821216885 (READ-ONLY COPY).

The authoritative reference and input builder live on the scoring server;
editing this copy changes nothing except your own understanding.
"""

import jax, jax.numpy as jnp
import numpy as np

N_P = 25000
N_A = 25000
E = 400000
DF = 128
HC = 64
H = 2
DH = 32
OC = 16
NODE_TYPES = ('paper', 'author')
RELS = (('writes', 'author', 'paper'), ('rev', 'paper', 'author'))


def setup_inputs(seed: int = 0) -> dict:
    key = jax.random.key(seed)
    ks = jax.random.split(key, 32)
    it = iter(range(32))
    inp = {}
    inp['x_paper'] = jax.random.normal(ks[next(it)], (N_P, DF), dtype=jnp.float32)
    inp['x_author'] = jax.random.normal(ks[next(it)], (N_A, DF), dtype=jnp.float32)
    inp['edge_index_writes'] = jax.random.randint(ks[next(it)], (2, E), 0, 25000, dtype=jnp.int64)
    inp['edge_index_rev'] = jax.random.randint(ks[next(it)], (2, E), 0, 25000, dtype=jnp.int64)
    P = {}
    for t in NODE_TYPES:
        P['W_in_' + t] = jax.random.normal(ks[next(it)], (DF, HC), dtype=jnp.float32) * 0.05
        P['b_in_' + t] = jnp.zeros((HC,), jnp.float32)
        P['Wk_' + t] = jax.random.normal(ks[next(it)], (HC, HC), dtype=jnp.float32) * 0.05
        P['bk_' + t] = jnp.zeros((HC,), jnp.float32)
        P['Wq_' + t] = jax.random.normal(ks[next(it)], (HC, HC), dtype=jnp.float32) * 0.05
        P['bq_' + t] = jnp.zeros((HC,), jnp.float32)
        P['Wv_' + t] = jax.random.normal(ks[next(it)], (HC, HC), dtype=jnp.float32) * 0.05
        P['bv_' + t] = jnp.zeros((HC,), jnp.float32)
        P['Wa_' + t] = jax.random.normal(ks[next(it)], (HC, HC), dtype=jnp.float32) * 0.05
        P['ba_' + t] = jnp.zeros((HC,), jnp.float32)
        P['skip_' + t] = jnp.array(1.0, jnp.float32)
    for r, _, _ in RELS:
        P['a_rel_' + r] = jax.random.normal(ks[next(it)], (H, DH, DH), dtype=jnp.float32) * 0.05
        P['m_rel_' + r] = jax.random.normal(ks[next(it)], (H, DH, DH), dtype=jnp.float32) * 0.05
        P['p_rel_' + r] = jnp.ones((H,), jnp.float32)
    P['W_out'] = jax.random.normal(ks[next(it)], (HC, OC), dtype=jnp.float32) * 0.05
    P['b_out'] = jnp.zeros((OC,), jnp.float32)
    inp['params'] = P
    return inp


def _hgt(x_paper, x_author, P, ei_writes, ei_rev):
    # per-type input linear + relu (lin_dict)
    x = {
        'paper': jax.nn.relu(x_paper @ P['W_in_paper'] + P['b_in_paper']),
        'author': jax.nn.relu(x_author @ P['W_in_author'] + P['b_in_author']),
    }
    k, q, v = {}, {}, {}
    for t in NODE_TYPES:
        k[t] = (x[t] @ P['Wk_' + t] + P['bk_' + t]).reshape(-1, H, DH)
        q[t] = (x[t] @ P['Wq_' + t] + P['bq_' + t]).reshape(-1, H, DH)
        v[t] = (x[t] @ P['Wv_' + t] + P['bv_' + t]).reshape(-1, H, DH)
    eis = {'writes': ei_writes, 'rev': ei_rev}

    def rel_agg(r, st, dt):
        ei = eis[r]
        src, dst = ei[0], ei[1]
        n_dst = x[dt].shape[0]
        kr = jnp.einsum('nhd,hde->nhe', k[st], P['a_rel_' + r])
        vr = jnp.einsum('nhd,hde->nhe', v[st], P['m_rel_' + r])
        alpha = (q[dt][dst] * kr[src]).sum(-1) * P['p_rel_' + r] / jnp.sqrt(float(DH))  # [E, H]
        amax = jax.ops.segment_max(alpha, dst, num_segments=n_dst)
        amax = jnp.where(jnp.isfinite(amax), amax, 0.0)
        e = jnp.exp(alpha - amax[dst])
        s = jax.ops.segment_sum(e, dst, num_segments=n_dst)
        w = e / (s[dst] + 1e-16)
        msg = vr[src] * w[..., None]
        return jax.ops.segment_sum(msg, dst, num_segments=n_dst).reshape(n_dst, HC)

    agg = {dt: rel_agg(r, st, dt) for r, st, dt in RELS}
    out = {}
    for t in NODE_TYPES:
        o = jax.nn.gelu(agg[t]) @ P['Wa_' + t] + P['ba_' + t]
        beta = jax.nn.sigmoid(P['skip_' + t])
        out[t] = beta * o + (1.0 - beta) * x[t]
    # final classifier on labeled_class = 'paper'
    return out['paper'] @ P['W_out'] + P['b_out']


def reference(x_paper, x_author, edge_index_writes, edge_index_rev, params):
    return _hgt(x_paper, x_author, params, edge_index_writes, edge_index_rev)

if __name__ == "__main__":
    import jax
    _d = setup_inputs()
    print(jax.jit(kernel)(*tuple(_d.values())))

</pallas_src>

<mosaic_0001>
#map = affine_map<(d0, d1) -> (0, 0)>
#map1 = affine_map<(d0, d1) -> (0)>
module attributes {stable_mosaic.version = 14 : i64} {
  func.func @_sc_gather(%arg0: i32, %arg1: i32, %arg2: memref<25000x128xf32, #tpu.memory_space<hbm>>, %arg3: memref<25000x128xf32, #tpu.memory_space<hbm>>, %arg4: memref<401408xi32, #tpu.memory_space<hbm>>, %arg5: memref<401408xi32, #tpu.memory_space<hbm>>, %arg6: memref<401408x128xf32, #tpu.memory_space<hbm>>, %arg7: memref<401408x128xf32, #tpu.memory_space<hbm>>, %arg8: memref<128xi32, #tpu.memory_space<vmem>>, %arg9: memref<128xi32, #tpu.memory_space<vmem>>, %arg10: memref<128x128xf32, #tpu.memory_space<vmem>>, %arg11: memref<128x128xf32, #tpu.memory_space<vmem>>, %arg12: memref<!tpu.dma_semaphore, #tpu.memory_space<semaphore_mem>>) attributes {dimension_semantics = [#tpu.dimension_semantics<core_parallel>, #tpu.dimension_semantics<subcore_parallel>], iteration_bounds = array<i64: 2, 16>, scalar_prefetch = 0 : i64, scratch_operands = 5 : i64, tpu.core_type = #tpu.core_type<sc_vector_subcore>, window_params = [{transform_indices = #map}, {transform_indices = #map}, {transform_indices = #map1}, {transform_indices = #map1}, {transform_indices = #map}, {transform_indices = #map}]} {
    %mul3A = arith.constant 2 : i32
    %mul3A_0 = arith.muli %arg1, %mul3A : i32
    %add3A = arith.addi %mul3A_0, %arg0 : i32
    %scan3A = arith.constant 0 : i32
    %scan3A_1 = arith.constant 0 : i32
    %scan3A_2 = arith.constant 98 : i32
    %scan3A_3 = arith.addi %scan3A_1, %scan3A_2 : i32
    %scan3A_4 = arith.constant 1 : i32
    scf.for %scan3A_6 = %scan3A_1 to %scan3A_3 step %scan3A_4  : i32 {
      %mul3A_7 = arith.constant 98 : i32
      %mul3A_8 = arith.muli %add3A, %mul3A_7 : i32
      %add3A_9 = arith.addi %mul3A_8, %scan3A_6 : i32
      %mul3A_10 = arith.constant 128 : i32
      %mul3A_11 = arith.muli %add3A_9, %mul3A_10 : i32
      "tpu.region"() ({
        %run_scoped3A = tpu.sem_alloc : memref<!tpu.dma_semaphore, #tpu.memory_space<semaphore_mem>>
        %dma_start3A_28 = tpu.memref_slice %arg4[%mul3A_11] : memref<401408xi32, #tpu.memory_space<hbm>> -> memref<128xi32, #tpu.memory_space<hbm>>
        %dma_start3A_29 = tpu.memref_slice %arg4[%mul3A_11] : memref<401408xi32, #tpu.memory_space<hbm>> -> memref<128xi32, #tpu.memory_space<hbm>>
        tpu.enqueue_dma source(%dma_start3A_29 : memref<128xi32, #tpu.memory_space<hbm>>) target(%arg8 : memref<128xi32, #tpu.memory_space<vmem>>) target_semaphore(%run_scoped3A : memref<!tpu.dma_semaphore, #tpu.memory_space<semaphore_mem>>)
        %dma_wait3A_30 = tpu.memref_slice %arg4[%mul3A_11] : memref<401408xi32, #tpu.memory_space<hbm>> -> memref<128xi32, #tpu.memory_space<hbm>>
        %dma_wait3A_31 = tpu.memref_slice %arg4[%mul3A_11] : memref<401408xi32, #tpu.memory_space<hbm>> -> memref<128xi32, #tpu.memory_space<hbm>>
        tpu.wait_dma2 semaphore(%run_scoped3A : memref<!tpu.dma_semaphore, #tpu.memory_space<semaphore_mem>>) src(%dma_wait3A_31 : memref<128xi32, #tpu.memory_space<hbm>>) dst(%arg8 : memref<128xi32, #tpu.memory_space<vmem>>)
        tpu.yield
      }) : () -> ()
      %mul3A_12 = arith.constant 128 : i32
      %mul3A_13 = arith.muli %add3A_9, %mul3A_12 : i32
      "tpu.region"() ({
        %run_scoped3A = tpu.sem_alloc : memref<!tpu.dma_semaphore, #tpu.memory_space<semaphore_mem>>
        %dma_start3A_28 = tpu.memref_slice %arg5[%mul3A_13] : memref<401408xi32, #tpu.memory_space<hbm>> -> memref<128xi32, #tpu.memory_space<hbm>>
        %dma_start3A_29 = tpu.memref_slice %arg5[%mul3A_13] : memref<401408xi32, #tpu.memory_space<hbm>> -> memref<128xi32, #tpu.memory_space<hbm>>
        tpu.enqueue_dma source(%dma_start3A_29 : memref<128xi32, #tpu.memory_space<hbm>>) target(%arg9 : memref<128xi32, #tpu.memory_space<vmem>>) target_semaphore(%run_scoped3A : memref<!tpu.dma_semaphore, #tpu.memory_space<semaphore_mem>>)
        %dma_wait3A_30 = tpu.memref_slice %arg5[%mul3A_13] : memref<401408xi32, #tpu.memory_space<hbm>> -> memref<128xi32, #tpu.memory_space<hbm>>
        %dma_wait3A_31 = tpu.memref_slice %arg5[%mul3A_13] : memref<401408xi32, #tpu.memory_space<hbm>> -> memref<128xi32, #tpu.memory_space<hbm>>
        tpu.wait_dma2 semaphore(%run_scoped3A : memref<!tpu.dma_semaphore, #tpu.memory_space<semaphore_mem>>) src(%dma_wait3A_31 : memref<128xi32, #tpu.memory_space<hbm>>) dst(%arg9 : memref<128xi32, #tpu.memory_space<vmem>>)
        tpu.yield
      }) : () -> ()
      %dma_start3A = arith.constant 0 : i32
      %dma_start3A_14 = arith.constant 0 : i32
      %dma_start3A_15 = tpu.memref_slice %arg2[%dma_start3A, %dma_start3A_14] : memref<25000x128xf32, #tpu.memory_space<hbm>> -> memref<25000x128xf32, #tpu.memory_space<hbm>>
      tpu.enqueue_indirect_dma source(%dma_start3A_15 : memref<25000x128xf32, #tpu.memory_space<hbm>>) target(%arg10 : memref<128x128xf32, #tpu.memory_space<vmem>>) offsets(%arg8 : memref<128xi32, #tpu.memory_space<vmem>>) semaphore(%arg12 : memref<!tpu.dma_semaphore, #tpu.memory_space<semaphore_mem>>)
      %dma_start3A_16 = arith.constant 0 : i32
      %dma_start3A_17 = arith.constant 0 : i32
      %dma_start3A_18 = tpu.memref_slice %arg3[%dma_start3A_16, %dma_start3A_17] : memref<25000x128xf32, #tpu.memory_space<hbm>> -> memref<25000x128xf32, #tpu.memory_space<hbm>>
      tpu.enqueue_indirect_dma source(%dma_start3A_18 : memref<25000x128xf32, #tpu.memory_space<hbm>>) target(%arg11 : memref<128x128xf32, #tpu.memory_space<vmem>>) offsets(%arg9 : memref<128xi32, #tpu.memory_space<vmem>>) semaphore(%arg12 : memref<!tpu.dma_semaphore, #tpu.memory_space<semaphore_mem>>)
      %dma_wait3A = arith.constant 0 : i32
      %dma_wait3A_19 = arith.constant 0 : i32
      %dma_wait3A_20 = tpu.memref_slice %arg2[%dma_wait3A, %dma_wait3A_19] : memref<25000x128xf32, #tpu.memory_space<hbm>> -> memref<25000x128xf32, #tpu.memory_space<hbm>>
      tpu.wait_indirect_dma semaphore(%arg12 : memref<!tpu.dma_semaphore, #tpu.memory_space<semaphore_mem>>) src(%dma_wait3A_20 : memref<25000x128xf32, #tpu.memory_space<hbm>>) dst(%arg10 : memref<128x128xf32, #tpu.memory_space<vmem>>)
      %dma_wait3A_21 = arith.constant 0 : i32
      %dma_wait3A_22 = arith.constant 0 : i32
      %dma_wait3A_23 = tpu.memref_slice %arg3[%dma_wait3A_21, %dma_wait3A_22] : memref<25000x128xf32, #tpu.memory_space<hbm>> -> memref<25000x128xf32, #tpu.memory_space<hbm>>
      tpu.wait_indirect_dma semaphore(%arg12 : memref<!tpu.dma_semaphore, #tpu.memory_space<semaphore_mem>>) src(%dma_wait3A_23 : memref<25000x128xf32, #tpu.memory_space<hbm>>) dst(%arg11 : memref<128x128xf32, #tpu.memory_space<vmem>>)
      %mul3A_24 = arith.constant 128 : i32
      %mul3A_25 = arith.muli %add3A_9, %mul3A_24 : i32
      "tpu.region"() ({
        %run_scoped3A = tpu.sem_alloc : memref<!tpu.dma_semaphore, #tpu.memory_space<semaphore_mem>>
        %dma_start3A_28 = arith.constant 0 : i32
        %dma_start3A_29 = tpu.memref_slice %arg6[%mul3A_25, %dma_start3A_28] : memref<401408x128xf32, #tpu.memory_space<hbm>> -> memref<128x128xf32, #tpu.memory_space<hbm>>
        %dma_start3A_30 = arith.constant 0 : i32
        %dma_start3A_31 = tpu.memref_slice %arg6[%mul3A_25, %dma_start3A_30] : memref<401408x128xf32, #tpu.memory_space<hbm>> -> memref<128x128xf32, #tpu.memory_space<hbm>>
        tpu.enqueue_dma source(%arg10 : memref<128x128xf32, #tpu.memory_space<vmem>>) target(%dma_start3A_31 : memref<128x128xf32, #tpu.memory_space<hbm>>) target_semaphore(%run_scoped3A : memref<!tpu.dma_semaphore, #tpu.memory_space<semaphore_mem>>)
        %dma_wait3A_32 = arith.constant 0 : i32
        %dma_wait3A_33 = tpu.memref_slice %arg6[%mul3A_25, %dma_wait3A_32] : memref<401408x128xf32, #tpu.memory_space<hbm>> -> memref<128x128xf32, #tpu.memory_space<hbm>>
        %dma_wait3A_34 = arith.constant 0 : i32
        %dma_wait3A_35 = tpu.memref_slice %arg6[%mul3A_25, %dma_wait3A_34] : memref<401408x128xf32, #tpu.memory_space<hbm>> -> memref<128x128xf32, #tpu.memory_space<hbm>>
        tpu.wait_dma2 semaphore(%run_scoped3A : memref<!tpu.dma_semaphore, #tpu.memory_space<semaphore_mem>>) src(%arg10 : memref<128x128xf32, #tpu.memory_space<vmem>>) dst(%dma_wait3A_35 : memref<128x128xf32, #tpu.memory_space<hbm>>)
        tpu.yield
      }) : () -> ()
      %mul3A_26 = arith.constant 128 : i32
      %mul3A_27 = arith.muli %add3A_9, %mul3A_26 : i32
      "tpu.region"() ({
        %run_scoped3A = tpu.sem_alloc : memref<!tpu.dma_semaphore, #tpu.memory_space<semaphore_mem>>
        %dma_start3A_28 = arith.constant 0 : i32
        %dma_start3A_29 = tpu.memref_slice %arg7[%mul3A_27, %dma_start3A_28] : memref<401408x128xf32, #tpu.memory_space<hbm>> -> memref<128x128xf32, #tpu.memory_space<hbm>>
        %dma_start3A_30 = arith.constant 0 : i32
        %dma_start3A_31 = tpu.memref_slice %arg7[%mul3A_27, %dma_start3A_30] : memref<401408x128xf32, #tpu.memory_space<hbm>> -> memref<128x128xf32, #tpu.memory_space<hbm>>
        tpu.enqueue_dma source(%arg11 : memref<128x128xf32, #tpu.memory_space<vmem>>) target(%dma_start3A_31 : memref<128x128xf32, #tpu.memory_space<hbm>>) target_semaphore(%run_scoped3A : memref<!tpu.dma_semaphore, #tpu.memory_space<semaphore_mem>>)
        %dma_wait3A_32 = arith.constant 0 : i32
        %dma_wait3A_33 = tpu.memref_slice %arg7[%mul3A_27, %dma_wait3A_32] : memref<401408x128xf32, #tpu.memory_space<hbm>> -> memref<128x128xf32, #tpu.memory_space<hbm>>
        %dma_wait3A_34 = arith.constant 0 : i32
        %dma_wait3A_35 = tpu.memref_slice %arg7[%mul3A_27, %dma_wait3A_34] : memref<401408x128xf32, #tpu.memory_space<hbm>> -> memref<128x128xf32, #tpu.memory_space<hbm>>
        tpu.wait_dma2 semaphore(%run_scoped3A : memref<!tpu.dma_semaphore, #tpu.memory_space<semaphore_mem>>) src(%arg11 : memref<128x128xf32, #tpu.memory_space<vmem>>) dst(%dma_wait3A_35 : memref<128x128xf32, #tpu.memory_space<hbm>>)
        tpu.yield
      }) : () -> ()
    }
    %scan3A_5 = arith.constant 98 : i32
    return
  }
}

#map = affine_map<(d0, d1) -> (0, 0)>
#map1 = affine_map<(d0, d1) -> (0)>
module attributes {stable_mosaic.version = 14 : i64} {
  func.func @_sc_scatter(%arg0: i32, %arg1: i32, %arg2: memref<401408x128xf32, #tpu.memory_space<hbm>>, %arg3: memref<401408xi32, #tpu.memory_space<hbm>>, %arg4: memref<12672x128xf32, #tpu.memory_space<hbm>>, %arg5: memref<25344x128xf32, #tpu.memory_space<hbm>>, %arg6: memref<64xi32, #tpu.memory_space<vmem>>, %arg7: memref<64xi32, #tpu.memory_space<vmem>>, %arg8: memref<64x128xf32, #tpu.memory_space<vmem>>, %arg9: memref<12672x128xf32, #tpu.memory_space<vmem_shared>>) attributes {dimension_semantics = [#tpu.dimension_semantics<core_parallel>, #tpu.dimension_semantics<subcore_parallel>], iteration_bounds = array<i64: 2, 16>, scalar_prefetch = 0 : i64, scratch_operands = 4 : i64, tpu.core_type = #tpu.core_type<sc_vector_subcore>, window_params = [{transform_indices = #map}, {transform_indices = #map1}, {transform_indices = #map}, {transform_indices = #map}]} {
    %mul3A = arith.constant 12544 : i32
    %mul3A_0 = arith.muli %arg0, %mul3A : i32
    %mul3A_1 = arith.constant 792 : i32
    %mul3A_2 = arith.muli %arg1, %mul3A_1 : i32
    %mul3A_3 = arith.constant 792 : i32
    %mul3A_4 = arith.muli %arg1, %mul3A_3 : i32
    "tpu.region"() ({
      %run_scoped3A = tpu.sem_alloc : memref<!tpu.dma_semaphore, #tpu.memory_space<semaphore_mem>>
      %dma_start3A = arith.constant 0 : i32
      %dma_start3A_17 = tpu.memref_slice %arg9[%mul3A_4, %dma_start3A] : memref<12672x128xf32, #tpu.memory_space<vmem_shared>> -> memref<792x128xf32, #tpu.memory_space<vmem_shared>>
      %dma_start3A_18 = arith.constant 0 : i32
      %dma_start3A_19 = tpu.memref_slice %arg4[%mul3A_2, %dma_start3A_18] : memref<12672x128xf32, #tpu.memory_space<hbm>> -> memref<792x128xf32, #tpu.memory_space<hbm>>
      tpu.enqueue_dma source(%dma_start3A_19 : memref<792x128xf32, #tpu.memory_space<hbm>>) target(%dma_start3A_17 : memref<792x128xf32, #tpu.memory_space<vmem_shared>>) target_semaphore(%run_scoped3A : memref<!tpu.dma_semaphore, #tpu.memory_space<semaphore_mem>>)
      %dma_wait3A = arith.constant 0 : i32
      %dma_wait3A_20 = tpu.memref_slice %arg9[%mul3A_4, %dma_wait3A] : memref<12672x128xf32, #tpu.memory_space<vmem_shared>> -> memref<792x128xf32, #tpu.memory_space<vmem_shared>>
      %dma_wait3A_21 = arith.constant 0 : i32
      %dma_wait3A_22 = tpu.memref_slice %arg4[%mul3A_2, %dma_wait3A_21] : memref<12672x128xf32, #tpu.memory_space<hbm>> -> memref<792x128xf32, #tpu.memory_space<hbm>>
      tpu.wait_dma2 semaphore(%run_scoped3A : memref<!tpu.dma_semaphore, #tpu.memory_space<semaphore_mem>>) src(%dma_wait3A_22 : memref<792x128xf32, #tpu.memory_space<hbm>>) dst(%dma_wait3A_20 : memref<792x128xf32, #tpu.memory_space<vmem_shared>>)
      tpu.yield
    }) : () -> ()
    %barrier3A = arith.constant 0 : index
    tpu.barrier barrier_id(%barrier3A)
    %scan3A = arith.constant 0 : i32
    %scan3A_5 = arith.constant 0 : i32
    %scan3A_6 = arith.constant 392 : i32
    %scan3A_7 = arith.addi %scan3A_5, %scan3A_6 : i32
    %scan3A_8 = arith.constant 1 : i32
    scf.for %scan3A_17 = %scan3A_5 to %scan3A_7 step %scan3A_8  : i32 {
      %mul3A_18 = arith.constant 392 : i32
      %mul3A_19 = arith.muli %arg1, %mul3A_18 : i32
      %add3A_20 = arith.addi %mul3A_19, %scan3A_17 : i32
      %mul3A_21 = arith.constant 64 : i32
      %mul3A_22 = arith.muli %add3A_20, %mul3A_21 : i32
      "tpu.region"() ({
        %run_scoped3A = tpu.sem_alloc : memref<!tpu.dma_semaphore, #tpu.memory_space<semaphore_mem>>
        %dma_start3A = tpu.memref_slice %arg3[%mul3A_22] : memref<401408xi32, #tpu.memory_space<hbm>> -> memref<64xi32, #tpu.memory_space<hbm>>
        %dma_start3A_29 = tpu.memref_slice %arg3[%mul3A_22] : memref<401408xi32, #tpu.memory_space<hbm>> -> memref<64xi32, #tpu.memory_space<hbm>>
        tpu.enqueue_dma source(%dma_start3A_29 : memref<64xi32, #tpu.memory_space<hbm>>) target(%arg6 : memref<64xi32, #tpu.memory_space<vmem>>) target_semaphore(%run_scoped3A : memref<!tpu.dma_semaphore, #tpu.memory_space<semaphore_mem>>)
        %dma_wait3A = tpu.memref_slice %arg3[%mul3A_22] : memref<401408xi32, #tpu.memory_space<hbm>> -> memref<64xi32, #tpu.memory_space<hbm>>
        %dma_wait3A_30 = tpu.memref_slice %arg3[%mul3A_22] : memref<401408xi32, #tpu.memory_space<hbm>> -> memref<64xi32, #tpu.memory_space<hbm>>
        tpu.wait_dma2 semaphore(%run_scoped3A : memref<!tpu.dma_semaphore, #tpu.memory_space<semaphore_mem>>) src(%dma_wait3A_30 : memref<64xi32, #tpu.memory_space<hbm>>) dst(%arg6 : memref<64xi32, #tpu.memory_space<vmem>>)
        tpu.yield
      }) : () -> ()
      %scan3A_23 = arith.constant 0 : i32
      %scan3A_24 = arith.constant 0 : i32
      %scan3A_25 = arith.constant 4 : i32
      %scan3A_26 = arith.addi %scan3A_24, %scan3A_25 : i32
      %scan3A_27 = arith.constant 1 : i32
      scf.for %scan3A_29 = %scan3A_24 to %scan3A_26 step %scan3A_27  : i32 {
        %mul3A_30 = arith.constant 16 : i32
        %mul3A_31 = arith.muli %scan3A_29, %mul3A_30 : i32
        %get3A = arith.index_cast %mul3A_31 : i32 to index
        %get3A_32 = tpu.vector_load %arg6[%get3A] {strides = array<i32>} : memref<64xi32, #tpu.memory_space<vmem>>, vector<16xi32>,
        %get3A_33 = vector.shape_cast %get3A_32 : vector<16xi32> to vector<16xi32>
        %sub3A = vector.broadcast %mul3A_0 : i32 to vector<16xi32>
        %sub3A_34 = arith.subi %get3A_33, %sub3A : vector<16xi32>
        %ge3A = arith.constant 0 : i32
        %ge3A_35 = vector.broadcast %ge3A : i32 to vector<16xi32>
        %ge3A_36 = arith.cmpi sge, %sub3A_34, %ge3A_35 : vector<16xi32>
        %lt3A = arith.constant 12544 : i32
        %lt3A_37 = vector.broadcast %lt3A : i32 to vector<16xi32>
        %lt3A_38 = arith.cmpi slt, %sub3A_34, %lt3A_37 : vector<16xi32>
        %and3A = arith.andi %ge3A_36, %lt3A_38 : vector<16xi1>
        %jit3A = arith.constant 12600 : i32
        %broadcast_in_dim3A = vector.broadcast %jit3A : i32 to vector<16xi32>
        %select_n3A = arith.select %and3A, %sub3A_34, %broadcast_in_dim3A : vector<16xi1>, vector<16xi32>
        %mul3A_39 = arith.constant 16 : i32
        %mul3A_40 = arith.muli %scan3A_29, %mul3A_39 : i32
        %swap3A = arith.index_cast %mul3A_40 : i32 to index
        %swap3A_41 = tpu.vector_load %arg7[%swap3A] {strides = array<i32>} : memref<64xi32, #tpu.memory_space<vmem>>, vector<16xi32>,
        %swap3A_42 = vector.shape_cast %swap3A_41 : vector<16xi32> to vector<16xi32>
        %swap3A_43 = vector.shape_cast %select_n3A : vector<16xi32> to vector<16xi32>
        tpu.vector_store %arg7[%swap3A], %swap3A_43 {strides = array<i32>} : memref<64xi32, #tpu.memory_space<vmem>>, vector<16xi32>,
      }
      %scan3A_28 = arith.constant 4 : i32
      "tpu.region"() ({
        %run_scoped3A = tpu.sem_alloc : memref<!tpu.dma_semaphore, #tpu.memory_space<semaphore_mem>>
        %dma_start3A = arith.constant 0 : i32
        %dma_start3A_29 = tpu.memref_slice %arg2[%mul3A_22, %dma_start3A] : memref<401408x128xf32, #tpu.memory_space<hbm>> -> memref<64x128xf32, #tpu.memory_space<hbm>>
        %dma_start3A_30 = arith.constant 0 : i32
        %dma_start3A_31 = tpu.memref_slice %arg2[%mul3A_22, %dma_start3A_30] : memref<401408x128xf32, #tpu.memory_space<hbm>> -> memref<64x128xf32, #tpu.memory_space<hbm>>
        tpu.enqueue_dma source(%dma_start3A_31 : memref<64x128xf32, #tpu.memory_space<hbm>>) target(%arg8 : memref<64x128xf32, #tpu.memory_space<vmem>>) target_semaphore(%run_scoped3A : memref<!tpu.dma_semaphore, #tpu.memory_space<semaphore_mem>>)
        %dma_wait3A = arith.constant 0 : i32
        %dma_wait3A_32 = tpu.memref_slice %arg2[%mul3A_22, %dma_wait3A] : memref<401408x128xf32, #tpu.memory_space<hbm>> -> memref<64x128xf32, #tpu.memory_space<hbm>>
        %dma_wait3A_33 = arith.constant 0 : i32
        %dma_wait3A_34 = tpu.memref_slice %arg2[%mul3A_22, %dma_wait3A_33] : memref<401408x128xf32, #tpu.memory_space<hbm>> -> memref<64x128xf32, #tpu.memory_space<hbm>>
        tpu.wait_dma2 semaphore(%run_scoped3A : memref<!tpu.dma_semaphore, #tpu.memory_space<semaphore_mem>>) src(%dma_wait3A_34 : memref<64x128xf32, #tpu.memory_space<hbm>>) dst(%arg8 : memref<64x128xf32, #tpu.memory_space<vmem>>)
        tpu.yield
      }) : () -> ()
      "tpu.region"() ({
        %run_scoped3A = tpu.sem_alloc : memref<!tpu.dma_semaphore, #tpu.memory_space<semaphore_mem>>
        %dma_start3A = arith.constant 0 : i32
        %dma_start3A_29 = arith.constant 0 : i32
        %dma_start3A_30 = tpu.memref_slice %arg9[%dma_start3A, %dma_start3A_29] : memref<12672x128xf32, #tpu.memory_space<vmem_shared>> -> memref<12672x128xf32, #tpu.memory_space<vmem_shared>>
        tpu.enqueue_indirect_dma source(%arg8 : memref<64x128xf32, #tpu.memory_space<vmem>>) target(%dma_start3A_30 : memref<12672x128xf32, #tpu.memory_space<vmem_shared>>) offsets(%arg7 : memref<64xi32, #tpu.memory_space<vmem>>) semaphore(%run_scoped3A : memref<!tpu.dma_semaphore, #tpu.memory_space<semaphore_mem>>) {add = true}
        %dma_wait3A = arith.constant 0 : i32
        %dma_wait3A_31 = arith.constant 0 : i32
        %dma_wait3A_32 = tpu.memref_slice %arg9[%dma_wait3A, %dma_wait3A_31] : memref<12672x128xf32, #tpu.memory_space<vmem_shared>> -> memref<12672x128xf32, #tpu.memory_space<vmem_shared>>
        tpu.wait_indirect_dma semaphore(%run_scoped3A : memref<!tpu.dma_semaphore, #tpu.memory_space<semaphore_mem>>) src(%arg8 : memref<64x128xf32, #tpu.memory_space<vmem>>) dst(%dma_wait3A_32 : memref<12672x128xf32, #tpu.memory_space<vmem_shared>>)
        tpu.yield
      }) : () -> ()
    }
    %scan3A_9 = arith.constant 392 : i32
    %barrier3A_10 = arith.constant 0 : index
    tpu.barrier barrier_id(%barrier3A_10)
    %mul3A_11 = arith.constant 792 : i32
    %mul3A_12 = arith.muli %arg1, %mul3A_11 : i32
    %mul3A_13 = arith.constant 12672 : i32
    %mul3A_14 = arith.muli %arg0, %mul3A_13 : i32
    %mul3A_15 = arith.constant 792 : i32
    %mul3A_16 = arith.muli %arg1, %mul3A_15 : i32
    %add3A = arith.addi %mul3A_14, %mul3A_16 : i32
    "tpu.region"() ({
      %run_scoped3A = tpu.sem_alloc : memref<!tpu.dma_semaphore, #tpu.memory_space<semaphore_mem>>
      %dma_start3A = arith.constant 0 : i32
      %dma_start3A_17 = tpu.memref_slice %arg5[%add3A, %dma_start3A] : memref<25344x128xf32, #tpu.memory_space<hbm>> -> memref<792x128xf32, #tpu.memory_space<hbm>>
      %dma_start3A_18 = arith.constant 0 : i32
      %dma_start3A_19 = tpu.memref_slice %arg9[%mul3A_12, %dma_start3A_18] : memref<12672x128xf32, #tpu.memory_space<vmem_shared>> -> memref<792x128xf32, #tpu.memory_space<vmem_shared>>
      tpu.enqueue_dma source(%dma_start3A_19 : memref<792x128xf32, #tpu.memory_space<vmem_shared>>) target(%dma_start3A_17 : memref<792x128xf32, #tpu.memory_space<hbm>>) target_semaphore(%run_scoped3A : memref<!tpu.dma_semaphore, #tpu.memory_space<semaphore_mem>>)
      %dma_wait3A = arith.constant 0 : i32
      %dma_wait3A_20 = tpu.memref_slice %arg5[%add3A, %dma_wait3A] : memref<25344x128xf32, #tpu.memory_space<hbm>> -> memref<792x128xf32, #tpu.memory_space<hbm>>
      %dma_wait3A_21 = arith.constant 0 : i32
      %dma_wait3A_22 = tpu.memref_slice %arg9[%mul3A_12, %dma_wait3A_21] : memref<12672x128xf32, #tpu.memory_space<vmem_shared>> -> memref<792x128xf32, #tpu.memory_space<vmem_shared>>
      tpu.wait_dma2 semaphore(%run_scoped3A : memref<!tpu.dma_semaphore, #tpu.memory_space<semaphore_mem>>) src(%dma_wait3A_22 : memref<792x128xf32, #tpu.memory_space<vmem_shared>>) dst(%dma_wait3A_20 : memref<792x128xf32, #tpu.memory_space<hbm>>)
      tpu.yield
    }) : () -> ()
    return
  }
}

module attributes {stable_mosaic.version = 14 : i64} {
  func.func @_dense_body(%arg0: i32, %arg1: memref<5000x128xf32, #tpu.memory_space<vmem>>, %arg2: memref<128x64xf32, #tpu.memory_space<vmem>>, %arg3: memref<1x64xf32, #tpu.memory_space<vmem>>, %arg4: memref<64x64xf32, #tpu.memory_space<vmem>>, %arg5: memref<1x64xf32, #tpu.memory_space<vmem>>, %arg6: memref<64x64xf32, #tpu.memory_space<vmem>>, %arg7: memref<1x64xf32, #tpu.memory_space<vmem>>, %arg8: memref<5000x128xf32, #tpu.memory_space<vmem>>) attributes {dimension_semantics = [#tpu.dimension_semantics<arbitrary>], iteration_bounds = array<i64: 5>, scalar_prefetch = 0 : i64, scratch_operands = 0 : i64, tpu.core_type = #tpu.core_type<tc>, window_params = [{transform_indices = @transform_0, window_bounds = array<i64: 5000, 128>}, {pipeline_mode = #tpu.pipeline_mode<synchronous>, transform_indices = @transform_1, window_bounds = array<i64: 128, 64>}, {pipeline_mode = #tpu.pipeline_mode<synchronous>, transform_indices = @transform_2, window_bounds = array<i64: 1, 64>}, {pipeline_mode = #tpu.pipeline_mode<synchronous>, transform_indices = @transform_3, window_bounds = array<i64: 64, 64>}, {pipeline_mode = #tpu.pipeline_mode<synchronous>, transform_indices = @transform_4, window_bounds = array<i64: 1, 64>}, {pipeline_mode = #tpu.pipeline_mode<synchronous>, transform_indices = @transform_5, window_bounds = array<i64: 64, 64>}, {pipeline_mode = #tpu.pipeline_mode<synchronous>, transform_indices = @transform_6, window_bounds = array<i64: 1, 64>}, {transform_indices = @transform_7, window_bounds = array<i64: 5000, 128>}]} {
    %get3A = arith.constant 0 : index
    %get3A_0 = arith.constant 0 : index
    %get3A_1 = vector.load %arg1[%get3A, %get3A_0] : memref<5000x128xf32, #tpu.memory_space<vmem>>, vector<5000x128xf32>
    %get3A_2 = arith.constant 0 : index
    %get3A_3 = arith.constant 0 : index
    %get3A_4 = vector.load %arg2[%get3A_2, %get3A_3] : memref<128x64xf32, #tpu.memory_space<vmem>>, vector<128x64xf32>
    %dot_general3A = arith.constant dense<0.000000e+00> : vector<5000x64xf32>
    %dot_general3A_5 = tpu.matmul %get3A_1, %get3A_4, %dot_general3A {dimension_numbers = #tpu.dot_dimension_numbers<[1], [0], [0], [1], [0, 0, 1, 1], [], []>, transpose_lhs_hint = false} : vector<5000x128xf32>, vector<128x64xf32>, vector<5000x64xf32> -> vector<5000x64xf32>
    %get3A_6 = arith.constant 0 : index
    %get3A_7 = arith.constant 0 : index
    %get3A_8 = vector.load %arg3[%get3A_6, %get3A_7] : memref<1x64xf32, #tpu.memory_space<vmem>>, vector<1x64xf32>
    %add3A = vector.broadcast %get3A_8 : vector<1x64xf32> to vector<5000x64xf32>
    %add3A_9 = arith.addf %dot_general3A_5, %add3A : vector<5000x64xf32>
    %max3A = arith.constant 0.000000e+00 : f32
    %max3A_10 = vector.broadcast %max3A : f32 to vector<5000x64xf32>
    %max3A_11 = arith.maximumf %add3A_9, %max3A_10 : vector<5000x64xf32>
    %get3A_12 = arith.constant 0 : index
    %get3A_13 = arith.constant 0 : index
    %get3A_14 = vector.load %arg4[%get3A_12, %get3A_13] : memref<64x64xf32, #tpu.memory_space<vmem>>, vector<64x64xf32>
    %dot_general3A_15 = arith.constant dense<0.000000e+00> : vector<5000x64xf32>
    %dot_general3A_16 = tpu.matmul %max3A_11, %get3A_14, %dot_general3A_15 {dimension_numbers = #tpu.dot_dimension_numbers<[1], [0], [0], [1], [0, 0, 1, 1], [], []>, transpose_lhs_hint = false} : vector<5000x64xf32>, vector<64x64xf32>, vector<5000x64xf32> -> vector<5000x64xf32>
    %get3A_17 = arith.constant 0 : index
    %get3A_18 = arith.constant 0 : index
    %get3A_19 = vector.load %arg5[%get3A_17, %get3A_18] : memref<1x64xf32, #tpu.memory_space<vmem>>, vector<1x64xf32>
    %add3A_20 = vector.broadcast %get3A_19 : vector<1x64xf32> to vector<5000x64xf32>
    %add3A_21 = arith.addf %dot_general3A_16, %add3A_20 : vector<5000x64xf32>
    %get3A_22 = arith.constant 0 : index
    %get3A_23 = arith.constant 0 : index
    %get3A_24 = vector.load %arg6[%get3A_22, %get3A_23] : memref<64x64xf32, #tpu.memory_space<vmem>>, vector<64x64xf32>
    %dot_general3A_25 = arith.constant dense<0.000000e+00> : vector<5000x64xf32>
    %dot_general3A_26 = tpu.matmul %max3A_11, %get3A_24, %dot_general3A_25 {dimension_numbers = #tpu.dot_dimension_numbers<[1], [0], [0], [1], [0, 0, 1, 1], [], []>, transpose_lhs_hint = false} : vector<5000x64xf32>, vector<64x64xf32>, vector<5000x64xf32> -> vector<5000x64xf32>
    %get3A_27 = arith.constant 0 : index
    %get3A_28 = arith.constant 0 : index
    %get3A_29 = vector.load %arg7[%get3A_27, %get3A_28] : memref<1x64xf32, #tpu.memory_space<vmem>>, vector<1x64xf32>
    %add3A_30 = vector.broadcast %get3A_29 : vector<1x64xf32> to vector<5000x64xf32>
    %add3A_31 = arith.addf %dot_general3A_26, %add3A_30 : vector<5000x64xf32>
    %concatenate3A = tpu.concatenate %add3A_21, %add3A_31 in 1 : vector<5000x64xf32>, vector<5000x64xf32> -> vector<5000x128xf32>
    %swap3A = arith.constant 0 : index
    %swap3A_32 = arith.constant 0 : index
    %swap3A_33 = vector.load %arg8[%swap3A, %swap3A_32] : memref<5000x128xf32, #tpu.memory_space<vmem>>, vector<5000x128xf32>
    tpu.vector_store %arg8[%swap3A, %swap3A_32], %concatenate3A {strides = array<i32>} : memref<5000x128xf32, #tpu.memory_space<vmem>>, vector<5000x128xf32>,
    return
  }
  func.func @transform_0(%arg0: i32) -> (i32, i32) {
    %c0_i32 = arith.constant 0 : i32
    %c0_i32_0 = arith.constant 0 : i32
    return %arg0, %c0_i32 : i32, i32
  }
  func.func @transform_1(%arg0: i32) -> (i32, i32) {
    %c0_i32 = arith.constant 0 : i32
    %c0_i32_0 = arith.constant 0 : i32
    %c0_i32_1 = arith.constant 0 : i32
    return %c0_i32, %c0_i32_0 : i32, i32
  }
  func.func @transform_2(%arg0: i32) -> (i32, i32) {
    %c0_i32 = arith.constant 0 : i32
    %c0_i32_0 = arith.constant 0 : i32
    %c0_i32_1 = arith.constant 0 : i32
    return %c0_i32, %c0_i32_0 : i32, i32
  }
  func.func @transform_3(%arg0: i32) -> (i32, i32) {
    %c0_i32 = arith.constant 0 : i32
    %c0_i32_0 = arith.constant 0 : i32
    %c0_i32_1 = arith.constant 0 : i32
    return %c0_i32, %c0_i32_0 : i32, i32
  }
  func.func @transform_4(%arg0: i32) -> (i32, i32) {
    %c0_i32 = arith.constant 0 : i32
    %c0_i32_0 = arith.constant 0 : i32
    %c0_i32_1 = arith.constant 0 : i32
    return %c0_i32, %c0_i32_0 : i32, i32
  }
  func.func @transform_5(%arg0: i32) -> (i32, i32) {
    %c0_i32 = arith.constant 0 : i32
    %c0_i32_0 = arith.constant 0 : i32
    %c0_i32_1 = arith.constant 0 : i32
    return %c0_i32, %c0_i32_0 : i32, i32
  }
  func.func @transform_6(%arg0: i32) -> (i32, i32) {
    %c0_i32 = arith.constant 0 : i32
    %c0_i32_0 = arith.constant 0 : i32
    %c0_i32_1 = arith.constant 0 : i32
    return %c0_i32, %c0_i32_0 : i32, i32
  }
  func.func @transform_7(%arg0: i32) -> (i32, i32) {
    %c0_i32 = arith.constant 0 : i32
    %c0_i32_0 = arith.constant 0 : i32
    return %arg0, %c0_i32 : i32, i32
  }
}

module attributes {stable_mosaic.version = 14 : i64} {
  func.func @_dot_body(%arg0: i32, %arg1: memref<8192x128xf32, #tpu.memory_space<vmem>>, %arg2: memref<8192x128xf32, #tpu.memory_space<vmem>>, %arg3: memref<64x2xf32, #tpu.memory_space<vmem>>, %arg4: memref<2x64xf32, #tpu.memory_space<vmem>>, %arg5: memref<8192x128xf32, #tpu.memory_space<vmem>>) attributes {dimension_semantics = [#tpu.dimension_semantics<arbitrary>], iteration_bounds = array<i64: 49>, scalar_prefetch = 0 : i64, scratch_operands = 0 : i64, tpu.core_type = #tpu.core_type<tc>, window_params = [{transform_indices = @transform_0, window_bounds = array<i64: 8192, 128>}, {transform_indices = @transform_1, window_bounds = array<i64: 8192, 128>}, {pipeline_mode = #tpu.pipeline_mode<synchronous>, transform_indices = @transform_2, window_bounds = array<i64: 64, 2>}, {pipeline_mode = #tpu.pipeline_mode<synchronous>, transform_indices = @transform_3, window_bounds = array<i64: 2, 64>}, {transform_indices = @transform_4, window_bounds = array<i64: 8192, 128>}]} {
    %get3A = arith.constant 0 : index
    %get3A_0 = arith.constant 0 : index
    %get3A_1 = vector.load %arg1[%get3A, %get3A_0] : memref<8192x128xf32, #tpu.memory_space<vmem>>, vector<8192x64xf32>
    %get3A_2 = arith.constant 0 : index
    %get3A_3 = arith.constant 0 : index
    %get3A_4 = vector.load %arg2[%get3A_2, %get3A_3] : memref<8192x128xf32, #tpu.memory_space<vmem>>, vector<8192x64xf32>
    %mul3A = arith.mulf %get3A_1, %get3A_4 : vector<8192x64xf32>
    %get3A_5 = arith.constant 0 : index
    %get3A_6 = arith.constant 0 : index
    %get3A_7 = vector.load %arg3[%get3A_5, %get3A_6] : memref<64x2xf32, #tpu.memory_space<vmem>>, vector<64x2xf32>
    %dot_general3A = arith.constant dense<0.000000e+00> : vector<8192x2xf32>
    %dot_general3A_8 = tpu.matmul %mul3A, %get3A_7, %dot_general3A {dimension_numbers = #tpu.dot_dimension_numbers<[1], [0], [0], [1], [0, 0, 1, 1], [], []>, transpose_lhs_hint = false} : vector<8192x64xf32>, vector<64x2xf32>, vector<8192x2xf32> -> vector<8192x2xf32>
    %exp3A = math.exp %dot_general3A_8 : vector<8192x2xf32>
    %get3A_9 = arith.constant 0 : index
    %get3A_10 = arith.constant 64 : index
    %get3A_11 = vector.load %arg2[%get3A_9, %get3A_10] : memref<8192x128xf32, #tpu.memory_space<vmem>>, vector<8192x64xf32>
    %get3A_12 = arith.constant 0 : index
    %get3A_13 = arith.constant 0 : index
    %get3A_14 = vector.load %arg4[%get3A_12, %get3A_13] : memref<2x64xf32, #tpu.memory_space<vmem>>, vector<2x64xf32>
    %dot_general3A_15 = arith.constant dense<0.000000e+00> : vector<8192x64xf32>
    %dot_general3A_16 = tpu.matmul %exp3A, %get3A_14, %dot_general3A_15 {dimension_numbers = #tpu.dot_dimension_numbers<[1], [0], [0], [1], [0, 0, 1, 1], [], []>, transpose_lhs_hint = false} : vector<8192x2xf32>, vector<2x64xf32>, vector<8192x64xf32> -> vector<8192x64xf32>
    %mul3A_17 = arith.mulf %get3A_11, %dot_general3A_16 : vector<8192x64xf32>
    %broadcast_in_dim3A = arith.constant 0.000000e+00 : f32
    %broadcast_in_dim3A_18 = vector.broadcast %broadcast_in_dim3A : f32 to vector<8192x62xf32>
    %concatenate3A = tpu.concatenate %mul3A_17, %exp3A, %broadcast_in_dim3A_18 in 1 : vector<8192x64xf32>, vector<8192x2xf32>, vector<8192x62xf32> -> vector<8192x128xf32>
    %swap3A = arith.constant 0 : index
    %swap3A_19 = arith.constant 0 : index
    %swap3A_20 = vector.load %arg5[%swap3A, %swap3A_19] : memref<8192x128xf32, #tpu.memory_space<vmem>>, vector<8192x128xf32>
    tpu.vector_store %arg5[%swap3A, %swap3A_19], %concatenate3A {strides = array<i32>} : memref<8192x128xf32, #tpu.memory_space<vmem>>, vector<8192x128xf32>,
    return
  }
  func.func @transform_0(%arg0: i32) -> (i32, i32) {
    %c0_i32 = arith.constant 0 : i32
    %c0_i32_0 = arith.constant 0 : i32
    return %arg0, %c0_i32 : i32, i32
  }
  func.func @transform_1(%arg0: i32) -> (i32, i32) {
    %c0_i32 = arith.constant 0 : i32
    %c0_i32_0 = arith.constant 0 : i32
    return %arg0, %c0_i32 : i32, i32
  }
  func.func @transform_2(%arg0: i32) -> (i32, i32) {
    %c0_i32 = arith.constant 0 : i32
    %c0_i32_0 = arith.constant 0 : i32
    %c0_i32_1 = arith.constant 0 : i32
    return %c0_i32, %c0_i32_0 : i32, i32
  }
  func.func @transform_3(%arg0: i32) -> (i32, i32) {
    %c0_i32 = arith.constant 0 : i32
    %c0_i32_0 = arith.constant 0 : i32
    %c0_i32_1 = arith.constant 0 : i32
    return %c0_i32, %c0_i32_0 : i32, i32
  }
  func.func @transform_4(%arg0: i32) -> (i32, i32) {
    %c0_i32 = arith.constant 0 : i32
    %c0_i32_0 = arith.constant 0 : i32
    return %arg0, %c0_i32 : i32, i32
  }
}

module attributes {stable_mosaic.version = 14 : i64} {
  func.func @_final_body(%arg0: i32, %arg1: memref<5000x128xf32, #tpu.memory_space<vmem>>, %arg2: memref<5000x128xf32, #tpu.memory_space<vmem>>, %arg3: memref<2x64xf32, #tpu.memory_space<vmem>>, %arg4: memref<64x64xf32, #tpu.memory_space<vmem>>, %arg5: memref<1x64xf32, #tpu.memory_space<vmem>>, %arg6: memref<1x1xf32, #tpu.memory_space<vmem>>, %arg7: memref<64x16xf32, #tpu.memory_space<vmem>>, %arg8: memref<1x16xf32, #tpu.memory_space<vmem>>, %arg9: memref<5000x16xf32, #tpu.memory_space<vmem>>) attributes {dimension_semantics = [#tpu.dimension_semantics<arbitrary>], iteration_bounds = array<i64: 5>, scalar_prefetch = 0 : i64, scratch_operands = 0 : i64, tpu.core_type = #tpu.core_type<tc>, window_params = [{transform_indices = @transform_0, window_bounds = array<i64: 5000, 128>}, {transform_indices = @transform_1, window_bounds = array<i64: 5000, 128>}, {pipeline_mode = #tpu.pipeline_mode<synchronous>, transform_indices = @transform_2, window_bounds = array<i64: 2, 64>}, {pipeline_mode = #tpu.pipeline_mode<synchronous>, transform_indices = @transform_3, window_bounds = array<i64: 64, 64>}, {pipeline_mode = #tpu.pipeline_mode<synchronous>, transform_indices = @transform_4, window_bounds = array<i64: 1, 64>}, {pipeline_mode = #tpu.pipeline_mode<synchronous>, transform_indices = @transform_5, window_bounds = array<i64: 1, 1>}, {pipeline_mode = #tpu.pipeline_mode<synchronous>, transform_indices = @transform_6, window_bounds = array<i64: 64, 16>}, {pipeline_mode = #tpu.pipeline_mode<synchronous>, transform_indices = @transform_7, window_bounds = array<i64: 1, 16>}, {transform_indices = @transform_8, window_bounds = array<i64: 5000, 16>}]} {
    %get3A = arith.constant 0 : index
    %get3A_0 = arith.constant 0 : index
    %get3A_1 = vector.load %arg1[%get3A, %get3A_0] : memref<5000x128xf32, #tpu.memory_space<vmem>>, vector<5000x64xf32>
    %get3A_2 = arith.constant 0 : index
    %get3A_3 = arith.constant 64 : index
    %get3A_4 = vector.load %arg1[%get3A_2, %get3A_3] : memref<5000x128xf32, #tpu.memory_space<vmem>>, vector<5000x2xf32>
    %get3A_5 = arith.constant 0 : index
    %get3A_6 = arith.constant 0 : index
    %get3A_7 = vector.load %arg3[%get3A_5, %get3A_6] : memref<2x64xf32, #tpu.memory_space<vmem>>, vector<2x64xf32>
    %dot_general3A = arith.constant dense<0.000000e+00> : vector<5000x64xf32>
    %dot_general3A_8 = tpu.matmul %get3A_4, %get3A_7, %dot_general3A {dimension_numbers = #tpu.dot_dimension_numbers<[1], [0], [0], [1], [0, 0, 1, 1], [], []>, transpose_lhs_hint = false} : vector<5000x2xf32>, vector<2x64xf32>, vector<5000x64xf32> -> vector<5000x64xf32>
    %add3A = arith.constant 1.000000e-16 : f32
    %add3A_9 = vector.broadcast %add3A : f32 to vector<5000x64xf32>
    %add3A_10 = arith.addf %dot_general3A_8, %add3A_9 : vector<5000x64xf32>
    %div3A = arith.divf %get3A_1, %add3A_10 : vector<5000x64xf32>
    %integer_pow3A = arith.mulf %div3A, %div3A : vector<5000x64xf32>
    %integer_pow3A_11 = arith.mulf %div3A, %integer_pow3A : vector<5000x64xf32>
    %mul3A = arith.constant 4.471500e-02 : f32
    %mul3A_12 = vector.broadcast %mul3A : f32 to vector<5000x64xf32>
    %mul3A_13 = arith.mulf %mul3A_12, %integer_pow3A_11 : vector<5000x64xf32>
    %add3A_14 = arith.addf %div3A, %mul3A_13 : vector<5000x64xf32>
    %mul3A_15 = arith.constant 0.797884583 : f32
    %mul3A_16 = vector.broadcast %mul3A_15 : f32 to vector<5000x64xf32>
    %mul3A_17 = arith.mulf %mul3A_16, %add3A_14 : vector<5000x64xf32>
    %tanh3A = math.tanh %mul3A_17 : vector<5000x64xf32>
    %add3A_18 = arith.constant 1.000000e+00 : f32
    %add3A_19 = vector.broadcast %add3A_18 : f32 to vector<5000x64xf32>
    %add3A_20 = arith.addf %add3A_19, %tanh3A : vector<5000x64xf32>
    %mul3A_21 = arith.constant 5.000000e-01 : f32
    %mul3A_22 = vector.broadcast %mul3A_21 : f32 to vector<5000x64xf32>
    %mul3A_23 = arith.mulf %mul3A_22, %add3A_20 : vector<5000x64xf32>
    %mul3A_24 = arith.mulf %div3A, %mul3A_23 : vector<5000x64xf32>
    %get3A_25 = arith.constant 0 : index
    %get3A_26 = arith.constant 0 : index
    %get3A_27 = vector.load %arg4[%get3A_25, %get3A_26] : memref<64x64xf32, #tpu.memory_space<vmem>>, vector<64x64xf32>
    %dot_general3A_28 = arith.constant dense<0.000000e+00> : vector<5000x64xf32>
    %dot_general3A_29 = tpu.matmul %mul3A_24, %get3A_27, %dot_general3A_28 {dimension_numbers = #tpu.dot_dimension_numbers<[1], [0], [0], [1], [0, 0, 1, 1], [], []>, transpose_lhs_hint = false} : vector<5000x64xf32>, vector<64x64xf32>, vector<5000x64xf32> -> vector<5000x64xf32>
    %get3A_30 = arith.constant 0 : index
    %get3A_31 = arith.constant 0 : index
    %get3A_32 = vector.load %arg5[%get3A_30, %get3A_31] : memref<1x64xf32, #tpu.memory_space<vmem>>, vector<1x64xf32>
    %add3A_33 = vector.broadcast %get3A_32 : vector<1x64xf32> to vector<5000x64xf32>
    %add3A_34 = arith.addf %dot_general3A_29, %add3A_33 : vector<5000x64xf32>
    %get3A_35 = arith.constant 0 : index
    %get3A_36 = arith.constant 0 : index
    %get3A_37 = vector.load %arg6[%get3A_35, %get3A_36] : memref<1x1xf32, #tpu.memory_space<vmem>>, vector<1x1xf32>
    %get3A_38 = vector.extract %get3A_37[0, 0] : f32 from vector<1x1xf32>
    %logistic3A = arith.negf %get3A_38 : f32
    %logistic3A_39 = math.exp %logistic3A : f32
    %logistic3A_40 = arith.constant 1.000000e+00 : f32
    %logistic3A_41 = arith.addf %logistic3A_40, %logistic3A_39 : f32
    %logistic3A_42 = arith.divf %logistic3A_40, %logistic3A_41 : f32
    %mul3A_43 = vector.broadcast %logistic3A_42 : f32 to vector<5000x64xf32>
    %mul3A_44 = arith.mulf %mul3A_43, %add3A_34 : vector<5000x64xf32>
    %sub3A = arith.constant 1.000000e+00 : f32
    %sub3A_45 = arith.subf %sub3A, %logistic3A_42 : f32
    %get3A_46 = arith.constant 0 : index
    %get3A_47 = arith.constant 64 : index
    %get3A_48 = vector.load %arg2[%get3A_46, %get3A_47] : memref<5000x128xf32, #tpu.memory_space<vmem>>, vector<5000x64xf32>
    %mul3A_49 = vector.broadcast %sub3A_45 : f32 to vector<5000x64xf32>
    %mul3A_50 = arith.mulf %mul3A_49, %get3A_48 : vector<5000x64xf32>
    %add3A_51 = arith.addf %mul3A_44, %mul3A_50 : vector<5000x64xf32>
    %get3A_52 = arith.constant 0 : index
    %get3A_53 = arith.constant 0 : index
    %get3A_54 = vector.load %arg7[%get3A_52, %get3A_53] : memref<64x16xf32, #tpu.memory_space<vmem>>, vector<64x16xf32>
    %dot_general3A_55 = arith.constant dense<0.000000e+00> : vector<5000x16xf32>
    %dot_general3A_56 = tpu.matmul %add3A_51, %get3A_54, %dot_general3A_55 {dimension_numbers = #tpu.dot_dimension_numbers<[1], [0], [0], [1], [0, 0, 1, 1], [], []>, transpose_lhs_hint = false} : vector<5000x64xf32>, vector<64x16xf32>, vector<5000x16xf32> -> vector<5000x16xf32>
    %get3A_57 = arith.constant 0 : index
    %get3A_58 = arith.constant 0 : index
    %get3A_59 = vector.load %arg8[%get3A_57, %get3A_58] : memref<1x16xf32, #tpu.memory_space<vmem>>, vector<1x16xf32>
    %add3A_60 = vector.broadcast %get3A_59 : vector<1x16xf32> to vector<5000x16xf32>
    %add3A_61 = arith.addf %dot_general3A_56, %add3A_60 : vector<5000x16xf32>
    %swap3A = arith.constant 0 : index
    %swap3A_62 = arith.constant 0 : index
    %swap3A_63 = vector.load %arg9[%swap3A, %swap3A_62] : memref<5000x16xf32, #tpu.memory_space<vmem>>, vector<5000x16xf32>
    tpu.vector_store %arg9[%swap3A, %swap3A_62], %add3A_61 {strides = array<i32>} : memref<5000x16xf32, #tpu.memory_space<vmem>>, vector<5000x16xf32>,
    return
  }
  func.func @transform_0(%arg0: i32) -> (i32, i32) {
    %c0_i32 = arith.constant 0 : i32
    %c0_i32_0 = arith.constant 0 : i32
    return %arg0, %c0_i32 : i32, i32
  }
  func.func @transform_1(%arg0: i32) -> (i32, i32) {
    %c0_i32 = arith.constant 0 : i32
    %c0_i32_0 = arith.constant 0 : i32
    return %arg0, %c0_i32 : i32, i32
  }
  func.func @transform_2(%arg0: i32) -> (i32, i32) {
    %c0_i32 = arith.constant 0 : i32
    %c0_i32_0 = arith.constant 0 : i32
    %c0_i32_1 = arith.constant 0 : i32
    return %c0_i32, %c0_i32_0 : i32, i32
  }
  func.func @transform_3(%arg0: i32) -> (i32, i32) {
    %c0_i32 = arith.constant 0 : i32
    %c0_i32_0 = arith.constant 0 : i32
    %c0_i32_1 = arith.constant 0 : i32
    return %c0_i32, %c0_i32_0 : i32, i32
  }
  func.func @transform_4(%arg0: i32) -> (i32, i32) {
    %c0_i32 = arith.constant 0 : i32
    %c0_i32_0 = arith.constant 0 : i32
    %c0_i32_1 = arith.constant 0 : i32
    return %c0_i32, %c0_i32_0 : i32, i32
  }
  func.func @transform_5(%arg0: i32) -> (i32, i32) {
    %c0_i32 = arith.constant 0 : i32
    %c0_i32_0 = arith.constant 0 : i32
    %c0_i32_1 = arith.constant 0 : i32
    return %c0_i32, %c0_i32_0 : i32, i32
  }
  func.func @transform_6(%arg0: i32) -> (i32, i32) {
    %c0_i32 = arith.constant 0 : i32
    %c0_i32_0 = arith.constant 0 : i32
    %c0_i32_1 = arith.constant 0 : i32
    return %c0_i32, %c0_i32_0 : i32, i32
  }
  func.func @transform_7(%arg0: i32) -> (i32, i32) {
    %c0_i32 = arith.constant 0 : i32
    %c0_i32_0 = arith.constant 0 : i32
    %c0_i32_1 = arith.constant 0 : i32
    return %c0_i32, %c0_i32_0 : i32, i32
  }
  func.func @transform_8(%arg0: i32) -> (i32, i32) {
    %c0_i32 = arith.constant 0 : i32
    %c0_i32_0 = arith.constant 0 : i32
    return %arg0, %c0_i32 : i32, i32
  }
}

</mosaic_0001>

<sc_bundles>
// kernel: kernel.11.cloned.1.call-start
scs
__scs_entry_jumppad:
0x0: {  	(pc) =	sbr.rel $0x88, $3  }
0x1: {  	(tag) =	ssettag $0x0;
	lr =	simm.s32 $0x1  }
0x2: {  	[smem:$0x3F8C] =	sst lr;
	_ =	strace $0xD0000000  }
0x3: {  	_ = 	snop  }
0x4: {  	_ = 	snop  }
0x5: {  	_ = 	snop  }
0x6: {  	_ = 	snop  }
0x7: {  	_ = 	snop  }
__scs_overlays_trampoline_lowered:
0x8: {  	[smem:$0x3F9B] =	sst s0  }
0x9: {  	[smem:$0x3F9C] =	sst s1  }
0xa: {  	[smem:$0x3F9D] =	sst s2  }
0xb: {  	[smem:$0x3F9E] =	sst s3  }
0xc: {  	[smem:$0x3F9F] =	sst s4  }
0xd: {  	[smem:$0x3FA0] =	sst s5  }
0xe: {  	[smem:$0x3FA1] =	sst s6  }
0xf: {  	[smem:$0x3FA2] =	sst s7  }
0x10: {  	[smem:$0x3FA3] =	sst s8  }
0x11: {  	[smem:$0x3FA4] =	sst s9;
	s0 =	simm.s32 @!p0 $0x0  }
0x12: {  	s1 =	sld [smem:$0x3F8A];
	s0 =	simm.s32 @p0 $0x1  }
0x13: {  	[smem:$0x3FA5] =	sst s0;
	s0 =	simm.s32 @!p1 $0x0  }
0x14: {  	s2 =	sld [smem:$0x3F89];
	s0 =	simm.s32 @p1 $0x1  }
0x15: {  	[smem:$0x3FA6] =	sst s0;
	s0 =	simm.s32 @!p2 $0x0  }
0x16: {  	s3 =	sld [smem:$0x3FDB];
	s0 =	simm.s32 @p2 $0x1  }
0x17: {  	s4 =	simm.s32 $0x1BF5;
	[smem:$0x3FA8] =	sst s0  }
0x18: {  	s0 =	sld [smem:$0x3F8B];
	_ =	swait.ge [sflag:s4], $0x0  }
0x19: {  	s7 =	sld [smem:$0x3F8C]  }
0x1a: {  	s8 =	sadd.s32 $0xFFFFE003, lr  }
0x1b: {  	s9 =	sadd.s32 $0xFFFFFEF7, lr;
	s5 =	simm.s32 $0xFFFFFFFF;
	p2 =	slt.u32 s8, $0xFFFFF086  }
0x1c: {  	p1 =	slt.u32 s9, $0xF7A;
	s5 =	simm.s32 @!p2 $0x0  }
0x1d: {  	s5 =	simm.s32 @p1 $0x1;
	p0 =	seq.s32 s7, s2  }
0x1e: {  	s7 =	smul.u32 @!p0 $0xF7A, s2;
	p2 =	seq.s32 @!p0 s5, $0x0  }
0x1f: {  	s9 =	smul.u32 $0xF7A, s1;
	s8 =	simm.s32 @!p0 $0x1BF5;
	p2 =	por !p2, p0  }
0x20: {  	[sflag:s8] =	ssyncset.s32 @!p0 $0xFFFFF086;
	s6 =	sadd.s32 @!p0 s3, s7;
	s7 =	simm.s32 @!p0 $0x108  }
0x21: {  	s3 =	sadd.s32 s3, s9;
	s6 =	sadd.s32 @!p0 $0x88, s6;
	s7 =	simm.s32 @p2 $0x1082  }
0x22: {  	[simem:s7], [sflag:s8] =	dma.local @!p0 [hbm:s6], $0xF7A  }
0x23: {  	s9 =	sor.u32 $0xD0000000, s2;
	s6 =	simm.s32 $0x108;
	_ =	swait.ge @!p0 [sflag:s8], $0x0  }
0x24: {  	s3 =	sadd.s32 $0x88, s3;
	s6 =	simm.s32 @!p1 $0x1082;
	[sflag:s4] =	ssyncset.s32 $0xFFFFF086  }
0x25: {  	[simem:s6], [sflag:s4] =	dma.local [hbm:s3], $0xF7A  }
0x26: {  	[smem:$0x3F8C] =	sst s1;
	(tag) =	ssettag s2;
	_ =	strace s9  }
0x27: {  	s1 =	sld [smem:$0x3F9C]  }
0x28: {  	s2 =	sld [smem:$0x3F9D]  }
0x29: {  	s4 =	sld [smem:$0x3F9F]  }
0x2a: {  	p0 =	seq.s32 s5, $0x0;
	s5 =	sld [smem:$0x3FA0]  }
0x2b: {  	s6 =	sld [smem:$0x3FA1]  }
0x2c: {  	s7 =	sld [smem:$0x3FA2]  }
0x2d: {  	s3 =	simm.s32 $0x108;
	s8 =	sld [smem:$0x3FA3]  }
0x2e: {  	s3 =	simm.s32 @!p0 $0x1082;
	s9 =	sld [smem:$0x3FA4]  }
0x2f: {  	lr =	sadd.s32 s0, s3;
	s0 =	sld [smem:$0x3F9B]  }
0x30: {  	s3 =	sld [smem:$0x3F9E]  }
0x31: {  	[smem:$0x3FA7] =	sst s10  }
0x32: {  	s10 =	sld [smem:$0x3FA5];
	_ =	sdelay $0x3  }
0x33: {  	p0 =	seq.s32 s10, $0x1;
	s10 =	sld [smem:$0x3FA7];
	_ =	sdelay $0x3  }
0x34: {  	[smem:$0x3FA7] =	sst s10  }
0x35: {  	s10 =	sld [smem:$0x3FA6];
	_ =	sdelay $0x3  }
0x36: {  	p1 =	seq.s32 s10, $0x1;
	s10 =	sld [smem:$0x3FA7];
	_ =	sdelay $0x3  }
0x37: {  	[smem:$0x3FA7] =	sst s10  }
0x38: {  	s10 =	sld [smem:$0x3FA8]  }
0x39: {  	_ = 	snop;
	(pc) =	sbr.ind lr, $3  }
0x3a: {  	_ = 	snop  }
0x3b: {  	_ = 	snop  }
0x3c: {  	p2 =	seq.s32 s10, $0x1;
	s10 =	sld [smem:$0x3FA7]  }
0x3d: {  	_ =	shalt  }
0x3e: {  	_ =	shalt  }
0x3f: {  	_ =	shalt  }
0x40: {  	_ =	shalt  }
0x41: {  	_ =	shalt  }
0x42: {  	_ =	shalt  }
0x43: {  	_ =	shalt  }
0x44: {  	_ =	shalt  }
0x45: {  	_ =	shalt  }
0x46: {  	_ =	shalt  }
0x47: {  	_ =	shalt  }
0x48: {  	_ =	shalt  }
0x49: {  	_ =	shalt  }
0x4a: {  	_ =	shalt  }
0x4b: {  	_ =	shalt  }
0x4c: {  	_ =	shalt  }
0x4d: {  	_ =	shalt  }
0x4e: {  	_ =	shalt  }
0x4f: {  	_ =	shalt  }
0x50: {  	_ =	shalt  }
0x51: {  	_ =	shalt  }
0x52: {  	_ =	shalt  }
0x53: {  	_ =	shalt  }
0x54: {  	_ =	shalt  }
0x55: {  	_ =	shalt  }
0x56: {  	_ =	shalt  }
0x57: {  	_ =	shalt  }
0x58: {  	_ =	shalt  }
0x59: {  	_ =	shalt  }
0x5a: {  	_ =	shalt  }
0x5b: {  	_ =	shalt  }
0x5c: {  	_ =	shalt  }
0x5d: {  	_ =	shalt  }
0x5e: {  	_ =	shalt  }
0x5f: {  	_ =	shalt  }
0x60: {  	_ =	shalt  }
0x61: {  	_ =	shalt  }
0x62: {  	_ =	shalt  }
0x63: {  	_ =	shalt  }
0x64: {  	_ =	shalt  }
0x65: {  	_ =	shalt  }
0x66: {  	_ =	shalt  }
0x67: {  	_ =	shalt  }
0x68: {  	_ =	shalt  }
0x69: {  	_ =	shalt  }
0x6a: {  	_ =	shalt  }
0x6b: {  	_ =	shalt  }
0x6c: {  	_ =	shalt  }
0x6d: {  	_ =	shalt  }
0x6e: {  	_ =	shalt  }
0x6f: {  	_ =	shalt  }
0x70: {  	_ =	shalt  }
0x71: {  	_ =	shalt  }
0x72: {  	_ =	shalt  }
0x73: {  	_ =	shalt  }
0x74: {  	_ =	shalt  }
0x75: {  	_ =	shalt  }
0x76: {  	_ =	shalt  }
0x77: {  	_ =	shalt  }
0x78: {  	_ =	shalt  }
0x79: {  	_ =	shalt  }
0x7a: {  	_ =	shalt  }
0x7b: {  	_ =	shalt  }
0x7c: {  	_ =	shalt  }
0x7d: {  	_ =	shalt  }
0x7e: {  	_ =	shalt  }
0x7f: {  	_ =	shalt  }
0x80: {  	_ =	shalt  }
0x81: {  	_ =	shalt  }
0x82: {  	_ =	shalt  }
0x83: {  	_ =	shalt  }
0x84: {  	_ =	shalt  }
0x85: {  	_ =	shalt  }
0x86: {  	_ =	shalt  }
0x87: {  	_ =	shalt  }
.Lfunc_end0:
.L_simem_size_0:
called_computation.1_lowered:
.L_overlay_start_0:
0x88: {  	s2 =	sld [smem:$0x3FD9]  }
0x89: {  	s3 =	sld [smem:$0x3FFE];
	_ =	sdelay $0x1  }
0x8a: {  	s1 =	srdreg.scid  }
0x8b: {  	s0 =	sand.u32 $0x1, s1  }
0x8c: {  	s17 =	sshll.u32 s0, $0xA;
	s2 =	sadd.s32 s3, s2  }
0x8d: {  	s2 =	sadd.s32 s2, s17  }
0x8e: {  	[smem:$0x3FB3] =	sst s2  }
0x8f: {  	_ = 	snop  }
0x90: {  	s2 =	sld [smem:$0x3FD0];
	(tm) =	ssettm $0x1  }
0x91: {  	s18 =	sld [smem:$0x3FFB];
	_ =	sdelay $0x3  }
0x92: {  	_ =	strace s18  }
0x93: {  	s3 =	sld [smem:$0x3FFC];
	_ =	sdelay $0x3  }
0x94: {  	_ =	strace s3  }
0x95: {  	s3 =	sld [smem:$0x3FFD];
	_ =	sdelay $0x3  }
0x96: {  	_ =	strace s3  }
0x97: {  	_ =	strace $0x8FFFFFFF  }
0x98: {  	s19 =	sld [smem:$0x3FDB];
	_ =	sdelay $0x1  }
0x99: {  	s4 =	simm.s32 $_scs_section_size  }
0x9a: {  	s5 =	simm.s32 $_size__tile_overlayer_lowered;
	s6 =	simm.s32 $_tile_overlayer_lowered  }
0x9b: {  	s22 =	simm.s32 $0x1BFF;
	s21 =	sshll.u32 s6, $0x1;
	s3 =	sadd.s32 s4, s19  }
0x9c: {  	s7 =	simm.s32 $0x0;
	s20 =	sshll.u32 s5, $0x1;
	s5 =	sadd.s32 s21, s3  }
0x9d: {  	[timem:s7], [sflag:s22] =	dma.local [hbm:s5], s20  }
0x9e: {  	_ =	swait.ge [sflag:s22], s20  }
0x9f: {  	s4 =	ssub.s32 $0x0, s20;
	[sflag:s22] =	ssyncset.done $0x0  }
0xa0: {  	[sflag:s22] =	ssyncadd.s32 s4;
	_ =	sdelay $0x1  }
0xa1: {  	s23 =	simm.s32 $0x1B8B  }
0xa2: {  	_ =	swait.ge [sflag:s23], $0x1  }
0xa3: {  	[sflag:s23] =	ssyncset.done $0x0  }
0xa4: {  	s25 =	simm.s32 $0x1B8E;
	s24 =	sld [smem:$0x3FFE];
	[sflag:s23] =	ssyncadd.s32 $0xFFFFFFFF  }
0xa5: {  	s26 =	simm.s32 $execute0_lowered;
	[smem:$0x3FD2] =	sst s25  }
0xa6: {  	s5 =	sshll.u32 s26, $0x1;
	_ =	strace $0x80000049;
	[dreg:$0x1] =	wrdreg $0xFFFFFFFF  }
0xa7: {  	s28 =	simm.s32 $_size_execute0_lowered;
	s3 =	sadd.s32 s3, s5;
	[dreg:$0x0] =	wrdreg $0x0  }
0xa8: {  	s5 =	sshll.u32 s28, $0x1;
	[dreg:$0x2] =	wrdreg s3  }
0xa9: {  	[dreg:$0x3] =	wrdreg s5  }
0xaa: {  	[dreg:$0x4] =	wrdreg $0xC0  }
0xab: {  	_ =	task [dreg:s7], $0x5FFFF  }
0xac: {  	[dreg:$0x1] =	wrdreg $0xFFFFFFFF  }
0xad: {  	[dreg:$0x0] =	wrdreg $0x60  }
0xae: {  	[dreg:$0x2] =	wrdreg s24  }
0xaf: {  	[dreg:$0x3] =	wrdreg s2  }
0xb0: {  	[dreg:$0x4] =	wrdreg $0x21000  }
0xb1: {  	[dreg:$0x5] =	wrdreg $0x9  }
0xb2: {  	_ =	task.clear_ibuf [dreg:s7], $0x6FFFF;
	_ =	strace $0x90000049  }
0xb3: {  	s29 =	simm.s32 $0x9;
	_ =	strace $0x8000004B  }
0xb4: {  	_ =	swait.ge [sflag:s29], $0x1  }
0xb5: {  	[sflag:s29] =	ssyncadd.s32 $0xFFFFFFFF  }
0xb6: {  	_ =	strace $0x9000004B  }
0xb7: {  	_ =	sfence  }
0xb8: {  	s30 =	sld [smem:$0x0];
	_ =	sdelay $0x2  }
0xb9: {  	s31 =	sshll.u32 s1, $0xD;
	s1 =	sshrl.u32 s1, $0x2  }
0xba: {  	s3 =	sand.u32 $0x4000, s31;
	s1 =	sadd.s32 s1, s30  }
0xbb: {  	s0 =	sor.u32 s3, s0;
	s1 =	sshll.u32 s1, $0x11  }
0xbc: {  	s0 =	sor.u32 s1, s0  }
0xbd: {  	s0 =	sadd.s32 $0x8F2B, s0  }
0xbe: {  	[sflag:s0] =	ssyncadd.remote.s32 $0x1  }
0xbf: {  	_ =	sfence.sel $0xFFFF  }
0xc0: {  	[dreg:$0x0] =	wrdreg $0xFFFFFFFF;
	(pc) =	sbr.abs _section_cstart, $3  }
0xc1: {  	[dreg:$0x1] =	wrdreg $0xFFFFFFFF  }
0xc2: {  	_ =	task.clear_ibuf [dreg:s7], $0x2FFFF;
	_ =	strace $0x9FFFFFFF  }
0xc3: {  	(tm) =	ssettm $0x7FFFFFFF  }
tec
execute0_lowered:
.L_overlay_start_1:
0x0: {  	(tag) =	ssettag $0x1  }
0x1: {  	s4 =	rddreg [dreg:$0x0]  }
0x2: {  	s9 =	rddreg [dreg:$0x1]  }
0x3: {  	s2 =	rddreg [dreg:$0x2];
	s1 =	stileid.u32  }
0x4: {  	s0 =	rddreg [dreg:$0x3];
	s5 =	smul.u32 $0x62000, s1  }
0x5: {  	s6 =	srdreg.scid;
	s7 =	smul.u32 $0x3180, s1  }
0x6: {  	s3 =	simm.s32 $0x0;
	s15 =	simm.s32 $0x0;
	s11 =	smul.u32 $0x63000, s1  }
0x7: {  	s6 =	sand.u32 $0x1, s6;
	[smem:$0x7FF] =	sst s3;
	s14 =	smul.u32 $0xC40, s1  }
0x8: {  	s31 =	sshll.u32 s1, $0x6;
	s8 =	smul.u32 $0x31800, s6;
	_ =	strace $0x8000004A  }
0x9: {  	s28 =	ssub.s32 $0x2, s6;
	s13 =	smul.u32 $0xFFFFCF00, s6;
	s10 =	sadd.s32 s5, s4  }
0xa: {  	s29 =	sshrl.u32 s28, $0x1;
	s30 =	sshrl.u32 s11, $0x2;
	s5 =	sor.u32 $0x1C01, s31  }
0xb: {  	s9 =	sadd.s32 s14, s9;
	s14 =	simm.s32 $0x80;
	s26 =	sadd.s32 s7, s8  }
0xc: {  	s7 =	sadd.s32 s7, s4;
	s8 =	ssub.s32 s28, s29;
	s11 =	sadd.s32 s30, s2  }
0xd: {  	v0 =	vmov s13;
	s13 =	simm.s32 $0x40;
	s12 =	sadd.s32 s26, s4;
	s4 =	sadd.s32 $0x2A00, s7  }
0xe: {  	s7 =	smax.u32 s8, $0x1;
	s8 =	sadd.s32 $0xD1EC00, s10;
	s10 =	sshrl.u32 s11, $0x3  }
0xf: {  	s11 =	simm.s32 $0x1;
	s6 =	sadd.s32 $0xDEA00, s12;
	s12 =	simm.s32 $0x100  }
.LBB2_1:
0x10: {  	[spmem:s10], [sflag:s5] =	dma.local [hbm:s4], $0x3180  }
0x11: {  	_ =	swait.ge [sflag:s11], $0x3180  }
0x12: {  	[sflag:s11] =	ssyncset.done $0x0  }
0x13: {  	[sflag:s11] =	ssyncadd.s32 $0xFFFFCE80  }
0x14: {  	s16 =	sadd.s32 $0x0, s9;
	[bflag:$0x0] =	sbarrier.arrive $0xFFFF  }
0x15: {  	[tilespmem:s3], [sflag:$0x1] =	stream.linear.gather [hbm4b:s16+s3], $0x40, $0x38;
	[tilespmem:$0x1AD00] =	vst v63  }
0x16: {  	_ =	swait.ge [sflag:s11], $0x40  }
0x17: {  	[sflag:s11] =	ssyncset.done $0x0  }
0x18: {  	[sflag:s11] =	ssyncadd.s32 $0xFFFFFFC0  }
0x19: {  	v1 =	vld [tilespmem:$0x30]  }
0x1a: {  	v2 =	vld [tilespmem:$0x20]  }
0x1b: {  	v3 =	vld [tilespmem:$0x10]  }
0x1c: {  	v4 =	vld [tilespmem:$0x0];
	_ =	sdelay $0x1  }
0x1d: {  	v1 =	vadd.s32 v0, v1  }
0x1e: {  	v2 =	vadd.s32 v0, v2;
	vm0 =	vlt.u32 v1, $0x3100  }
0x1f: {  	v3 =	vadd.s32 v0, v3;
	vm1 =	vlt.u32 v2, $0x3100;
	v1 =	vnsel vm0, $0x3138, v1  }
0x20: {  	v4 =	vadd.s32 v0, v4;
	vm14 =	vlt.u32 v3, $0x3100;
	v2 =	vnsel vm1, $0x3138, v2;
	[tilespmem:$0xB0] =	vst v1  }
0x21: {  	vm15 =	vlt.u32 v4, $0x3100;
	v1 =	vnsel vm14, $0x3138, v3;
	[tilespmem:$0xA0] =	vst v2  }
0x22: {  	v2 =	vnsel vm15, $0x3138, v4;
	[tilespmem:$0x90] =	vst v1  }
0x23: {  	[tilespmem:$0x80] =	vst v2  }
0x24: {  	[tilespmem:s12], [sflag:$0x1] =	stream.linear.gather [hbm4b:s8+s3], $0x2000, $0x38;
	[tilespmem:$0x1AD00] =	vst v63  }
0x25: {  	_ =	swait.ge [sflag:s11], $0x2000  }
0x26: {  	[sflag:s11] =	ssyncset.done $0x0  }
0x27: {  	s17 =	sadd.s32 $0x400, s8;
	s16 =	simm.s32 $0x8;
	[sflag:s11] =	ssyncadd.s32 $0xFFFFE000  }
.LBB2_2:
0x28: {  	[spmem:s2] =	stream.indirect.scatter.add.f32 [tilespmem:s12], [sflag:$0x1], $0x80, s14, s13, $0xb8;
	[tilespmem:$0x1AD00] =	vst v63  }
0x29: {  	s18 =	smov.u32 s16  }
0x2a: {  	p0 =	sne.s32 s16, $0xC38;
	s16 =	sadd.s32 $0x8, s16;
	_ =	swait.ge [sflag:s11], $0x2000  }
0x2b: {  	[sflag:s11] =	ssyncset.done $0x0  }
0x2c: {  	s18 =	sadd.s32 s18, s9;
	[sflag:s11] =	ssyncadd.s32 $0xFFFFE000  }
0x2d: {  	[tilespmem:s3], [sflag:$0x1] =	stream.linear.gather [hbm4b:s18+s3], $0x40, $0x38;
	[tilespmem:$0x1AD00] =	vst v63  }
0x2e: {  	_ =	swait.ge [sflag:s11], $0x40  }
0x2f: {  	[sflag:s11] =	ssyncset.done $0x0  }
0x30: {  	[sflag:s11] =	ssyncadd.s32 $0xFFFFFFC0  }
0x31: {  	v1 =	vld [tilespmem:$0x30]  }
0x32: {  	v2 =	vld [tilespmem:$0x20]  }
0x33: {  	v3 =	vld [tilespmem:$0x10]  }
0x34: {  	v4 =	vld [tilespmem:$0x0];
	_ =	sdelay $0x1  }
0x35: {  	v1 =	vadd.s32 v0, v1  }
0x36: {  	v2 =	vadd.s32 v0, v2;
	vm0 =	vlt.u32 v1, $0x3100  }
0x37: {  	v3 =	vadd.s32 v0, v3;
	vm1 =	vlt.u32 v2, $0x3100;
	v1 =	vnsel vm0, $0x3138, v1  }
0x38: {  	v4 =	vadd.s32 v0, v4;
	vm0 =	vlt.u32 v3, $0x3100;
	v2 =	vnsel vm1, $0x3138, v2;
	[tilespmem:$0xB0] =	vst v1  }
0x39: {  	vm1 =	vlt.u32 v4, $0x3100;
	v1 =	vnsel vm0, $0x3138, v3;
	[tilespmem:$0xA0] =	vst v2  }
0x3a: {  	v2 =	vnsel vm1, $0x3138, v4;
	[tilespmem:$0x90] =	vst v1  }
.Ltmp0:
0x3b: {  	[tilespmem:$0x80] =	vst v2;
	(pc) =	sbr.rel @p0 .LBB2_2-.Ltmp0, $4  }
0x3c: {  	[tilespmem:s12], [sflag:$0x1] =	stream.linear.gather [hbm4b:s17+s3], $0x2000, $0x38;
	[tilespmem:$0x1AD00] =	vst v63  }
0x3d: {  	_ =	swait.ge [sflag:s11], $0x2000  }
0x3e: {  	[sflag:s11] =	ssyncset.done $0x0  }
0x3f: {  	s17 =	sadd.s32 $0x400, s17;
	[sflag:s11] =	ssyncadd.s32 $0xFFFFE000  }
0x40: {  	[spmem:s2] =	stream.indirect.scatter.add.f32 [tilespmem:s12], [sflag:$0x1], $0x80, s14, s13, $0xb8;
	[tilespmem:$0x1AD00] =	vst v63  }
0x41: {  	_ =	swait.ge [sflag:s11], $0x2000  }
0x42: {  	s15 =	sadd.s32 $0x1, s15;
	[sflag:s11] =	ssyncset.done $0x0  }
0x43: {  	p0 =	sne.s32 s15, s7;
	[sflag:s11] =	ssyncadd.s32 $0xFFFFE000  }
.Ltmp1:
0x44: {  	[bflag:$0x0] =	sbarrier.arrive $0xFFFF;
	(pc) =	sbr.rel @p0 .LBB2_1-.Ltmp1, $4  }
0x45: {  	[hbm:s6], [sflag:s5] =	dma.local [spmem:s10], $0x3180  }
0x46: {  	_ =	swait.ge [sflag:s11], $0x3180  }
0x47: {  	[sflag:s11] =	ssyncset.done $0x0  }
0x48: {  	[sflag:s11] =	ssyncadd.s32 $0xFFFFCE80  }
0x49: {  	_ =	sfence.sel $0x180000  }
0x4a: {  	[bflag:$0x0] =	sbarrier.arrive $0xFFFF  }
0x4b: {  	p0 =	sne.s32 s1, $0x0;
	_ =	strace $0x9000004A  }
0x4c: {  	s0 =	sadd.s32 @!p0 $0x100000, s0;
	[bflag:$0x2] =	sbarrier.arrive $0xFFFF  }
0x4d: {  	[sflag:s0] =	ssyncadd.tile.s32 @!p0 $0x1;
	_ =	shalt  }
.Lfunc_end2:
_tile_overlayer_lowered:
.L_overlay_start_2:
0x4e: {  	(tag) =	ssettag $0x2  }
0x4f: {  	s0 =	rddreg [dreg:$0x0];
	s2 =	stileid.u32  }
0x50: {  	s1 =	rddreg [dreg:$0x1];
	p0 =	sne.s32 s2, $0x0  }
0x51: {  	s3 =	rddreg [dreg:$0x2];
	[bflag:$0x3] =	sbarrier.arrive $0xFFFF;
	s2 =	simm.s32 @!p0 $0x1C01  }
0x52: {  	[timem:s3], [sflag:s2] =	dma.local @!p0 [hbm:s0], s1  }
0x53: {  	s0 =	simm.s32 @!p0 $0x1  }
0x54: {  	_ =	swait.ge @!p0 [sflag:s0], s1  }
0x55: {  	s1 =	ssub.s32 @!p0 $0x0, s1;
	[sflag:s0] =	ssyncset.done @!p0 $0x0  }
0x56: {  	[sflag:s0] =	ssyncadd.s32 @!p0 s1  }
0x57: {  	[bflag:$0x3] =	sbarrier.arrive $0xFFFF  }
0x58: {  	_ =	shalt  }

// kernel: kernel.8.cloned.1.call-start
scs
__scs_entry_jumppad:
0x0: {  	(pc) =	sbr.rel $0x88, $3  }
0x1: {  	(tag) =	ssettag $0x0;
	lr =	simm.s32 $0x1  }
0x2: {  	[smem:$0x3F8C] =	sst lr;
	_ =	strace $0xD0000000  }
0x3: {  	_ = 	snop  }
0x4: {  	_ = 	snop  }
0x5: {  	_ = 	snop  }
0x6: {  	_ = 	snop  }
0x7: {  	_ = 	snop  }
__scs_overlays_trampoline_lowered:
0x8: {  	[smem:$0x3F9B] =	sst s0  }
0x9: {  	[smem:$0x3F9C] =	sst s1  }
0xa: {  	[smem:$0x3F9D] =	sst s2  }
0xb: {  	[smem:$0x3F9E] =	sst s3  }
0xc: {  	[smem:$0x3F9F] =	sst s4  }
0xd: {  	[smem:$0x3FA0] =	sst s5  }
0xe: {  	[smem:$0x3FA1] =	sst s6  }
0xf: {  	[smem:$0x3FA2] =	sst s7  }
0x10: {  	[smem:$0x3FA3] =	sst s8  }
0x11: {  	[smem:$0x3FA4] =	sst s9;
	s0 =	simm.s32 @!p0 $0x0  }
0x12: {  	s1 =	sld [smem:$0x3F8A];
	s0 =	simm.s32 @p0 $0x1  }
0x13: {  	[smem:$0x3FA5] =	sst s0;
	s0 =	simm.s32 @!p1 $0x0  }
0x14: {  	s2 =	sld [smem:$0x3F89];
	s0 =	simm.s32 @p1 $0x1  }
0x15: {  	[smem:$0x3FA6] =	sst s0;
	s0 =	simm.s32 @!p2 $0x0  }
0x16: {  	s3 =	sld [smem:$0x3FDB];
	s0 =	simm.s32 @p2 $0x1  }
0x17: {  	s4 =	simm.s32 $0x1BF5;
	[smem:$0x3FA8] =	sst s0  }
0x18: {  	s0 =	sld [smem:$0x3F8B];
	_ =	swait.ge [sflag:s4], $0x0  }
0x19: {  	s7 =	sld [smem:$0x3F8C]  }
0x1a: {  	s8 =	sadd.s32 $0xFFFFE003, lr  }
0x1b: {  	s9 =	sadd.s32 $0xFFFFFEF7, lr;
	s5 =	simm.s32 $0xFFFFFFFF;
	p2 =	slt.u32 s8, $0xFFFFF086  }
0x1c: {  	p1 =	slt.u32 s9, $0xF7A;
	s5 =	simm.s32 @!p2 $0x0  }
0x1d: {  	s5 =	simm.s32 @p1 $0x1;
	p0 =	seq.s32 s7, s2  }
0x1e: {  	s7 =	smul.u32 @!p0 $0xF7A, s2;
	p2 =	seq.s32 @!p0 s5, $0x0  }
0x1f: {  	s9 =	smul.u32 $0xF7A, s1;
	s8 =	simm.s32 @!p0 $0x1BF5;
	p2 =	por !p2, p0  }
0x20: {  	[sflag:s8] =	ssyncset.s32 @!p0 $0xFFFFF086;
	s6 =	sadd.s32 @!p0 s3, s7;
	s7 =	simm.s32 @!p0 $0x108  }
0x21: {  	s3 =	sadd.s32 s3, s9;
	s6 =	sadd.s32 @!p0 $0x88, s6;
	s7 =	simm.s32 @p2 $0x1082  }
0x22: {  	[simem:s7], [sflag:s8] =	dma.local @!p0 [hbm:s6], $0xF7A  }
0x23: {  	s9 =	sor.u32 $0xD0000000, s2;
	s6 =	simm.s32 $0x108;
	_ =	swait.ge @!p0 [sflag:s8], $0x0  }
0x24: {  	s3 =	sadd.s32 $0x88, s3;
	s6 =	simm.s32 @!p1 $0x1082;
	[sflag:s4] =	ssyncset.s32 $0xFFFFF086  }
0x25: {  	[simem:s6], [sflag:s4] =	dma.local [hbm:s3], $0xF7A  }
0x26: {  	[smem:$0x3F8C] =	sst s1;
	(tag) =	ssettag s2;
	_ =	strace s9  }
0x27: {  	s1 =	sld [smem:$0x3F9C]  }
0x28: {  	s2 =	sld [smem:$0x3F9D]  }
0x29: {  	s4 =	sld [smem:$0x3F9F]  }
0x2a: {  	p0 =	seq.s32 s5, $0x0;
	s5 =	sld [smem:$0x3FA0]  }
0x2b: {  	s6 =	sld [smem:$0x3FA1]  }
0x2c: {  	s7 =	sld [smem:$0x3FA2]  }
0x2d: {  	s3 =	simm.s32 $0x108;
	s8 =	sld [smem:$0x3FA3]  }
0x2e: {  	s3 =	simm.s32 @!p0 $0x1082;
	s9 =	sld [smem:$0x3FA4]  }
0x2f: {  	lr =	sadd.s32 s0, s3;
	s0 =	sld [smem:$0x3F9B]  }
0x30: {  	s3 =	sld [smem:$0x3F9E]  }
0x31: {  	[smem:$0x3FA7] =	sst s10  }
0x32: {  	s10 =	sld [smem:$0x3FA5];
	_ =	sdelay $0x3  }
0x33: {  	p0 =	seq.s32 s10, $0x1;
	s10 =	sld [smem:$0x3FA7];
	_ =	sdelay $0x3  }
0x34: {  	[smem:$0x3FA7] =	sst s10  }
0x35: {  	s10 =	sld [smem:$0x3FA6];
	_ =	sdelay $0x3  }
0x36: {  	p1 =	seq.s32 s10, $0x1;
	s10 =	sld [smem:$0x3FA7];
	_ =	sdelay $0x3  }
0x37: {  	[smem:$0x3FA7] =	sst s10  }
0x38: {  	s10 =	sld [smem:$0x3FA8]  }
0x39: {  	_ = 	snop;
	(pc) =	sbr.ind lr, $3  }
0x3a: {  	_ = 	snop  }
0x3b: {  	_ = 	snop  }
0x3c: {  	p2 =	seq.s32 s10, $0x1;
	s10 =	sld [smem:$0x3FA7]  }
0x3d: {  	_ =	shalt  }
0x3e: {  	_ =	shalt  }
0x3f: {  	_ =	shalt  }
0x40: {  	_ =	shalt  }
0x41: {  	_ =	shalt  }
0x42: {  	_ =	shalt  }
0x43: {  	_ =	shalt  }
0x44: {  	_ =	shalt  }
0x45: {  	_ =	shalt  }
0x46: {  	_ =	shalt  }
0x47: {  	_ =	shalt  }
0x48: {  	_ =	shalt  }
0x49: {  	_ =	shalt  }
0x4a: {  	_ =	shalt  }
0x4b: {  	_ =	shalt  }
0x4c: {  	_ =	shalt  }
0x4d: {  	_ =	shalt  }
0x4e: {  	_ =	shalt  }
0x4f: {  	_ =	shalt  }
0x50: {  	_ =	shalt  }
0x51: {  	_ =	shalt  }
0x52: {  	_ =	shalt  }
0x53: {  	_ =	shalt  }
0x54: {  	_ =	shalt  }
0x55: {  	_ =	shalt  }
0x56: {  	_ =	shalt  }
0x57: {  	_ =	shalt  }
0x58: {  	_ =	shalt  }
0x59: {  	_ =	shalt  }
0x5a: {  	_ =	shalt  }
0x5b: {  	_ =	shalt  }
0x5c: {  	_ =	shalt  }
0x5d: {  	_ =	shalt  }
0x5e: {  	_ =	shalt  }
0x5f: {  	_ =	shalt  }
0x60: {  	_ =	shalt  }
0x61: {  	_ =	shalt  }
0x62: {  	_ =	shalt  }
0x63: {  	_ =	shalt  }
0x64: {  	_ =	shalt  }
0x65: {  	_ =	shalt  }
0x66: {  	_ =	shalt  }
0x67: {  	_ =	shalt  }
0x68: {  	_ =	shalt  }
0x69: {  	_ =	shalt  }
0x6a: {  	_ =	shalt  }
0x6b: {  	_ =	shalt  }
0x6c: {  	_ =	shalt  }
0x6d: {  	_ =	shalt  }
0x6e: {  	_ =	shalt  }
0x6f: {  	_ =	shalt  }
0x70: {  	_ =	shalt  }
0x71: {  	_ =	shalt  }
0x72: {  	_ =	shalt  }
0x73: {  	_ =	shalt  }
0x74: {  	_ =	shalt  }
0x75: {  	_ =	shalt  }
0x76: {  	_ =	shalt  }
0x77: {  	_ =	shalt  }
0x78: {  	_ =	shalt  }
0x79: {  	_ =	shalt  }
0x7a: {  	_ =	shalt  }
0x7b: {  	_ =	shalt  }
0x7c: {  	_ =	shalt  }
0x7d: {  	_ =	shalt  }
0x7e: {  	_ =	shalt  }
0x7f: {  	_ =	shalt  }
0x80: {  	_ =	shalt  }
0x81: {  	_ =	shalt  }
0x82: {  	_ =	shalt  }
0x83: {  	_ =	shalt  }
0x84: {  	_ =	shalt  }
0x85: {  	_ =	shalt  }
0x86: {  	_ =	shalt  }
0x87: {  	_ =	shalt  }
.Lfunc_end0:
.L_simem_size_0:
called_computation_lowered:
.L_overlay_start_0:
0x88: {  	s2 =	sld [smem:$0x3FD9]  }
0x89: {  	s3 =	sld [smem:$0x3FFE];
	_ =	sdelay $0x1  }
0x8a: {  	s1 =	srdreg.scid  }
0x8b: {  	s0 =	sand.u32 $0x1, s1  }
0x8c: {  	s16 =	sshll.u32 s0, $0xA;
	s2 =	sadd.s32 s3, s2  }
0x8d: {  	s2 =	sadd.s32 s2, s16  }
0x8e: {  	[smem:$0x3FB3] =	sst s2  }
0x8f: {  	_ = 	snop  }
0x90: {  	(tm) =	ssettm $0x1  }
0x91: {  	s17 =	sld [smem:$0x3FFB];
	_ =	sdelay $0x3  }
0x92: {  	_ =	strace s17  }
0x93: {  	s2 =	sld [smem:$0x3FFC];
	_ =	sdelay $0x3  }
0x94: {  	_ =	strace s2  }
0x95: {  	s2 =	sld [smem:$0x3FFD];
	_ =	sdelay $0x3  }
0x96: {  	_ =	strace s2  }
0x97: {  	_ =	strace $0x8FFFFFFF  }
0x98: {  	s18 =	sld [smem:$0x3FDB];
	_ =	sdelay $0x1  }
0x99: {  	s19 =	simm.s32 $_scs_section_size  }
0x9a: {  	s4 =	simm.s32 $_size__tile_overlayer_lowered;
	s5 =	simm.s32 $_tile_overlayer_lowered  }
0x9b: {  	s22 =	simm.s32 $0x1BFF;
	s21 =	sshll.u32 s5, $0x1;
	s2 =	sadd.s32 s19, s18  }
0x9c: {  	s6 =	simm.s32 $0x0;
	s20 =	sshll.u32 s4, $0x1;
	s4 =	sadd.s32 s21, s2  }
0x9d: {  	[timem:s6], [sflag:s22] =	dma.local [hbm:s4], s20  }
0x9e: {  	_ =	swait.ge [sflag:s22], s20  }
0x9f: {  	s3 =	ssub.s32 $0x0, s20;
	[sflag:s22] =	ssyncset.done $0x0  }
0xa0: {  	[sflag:s22] =	ssyncadd.s32 s3;
	_ =	sdelay $0x1  }
0xa1: {  	s23 =	simm.s32 $0x1B8B  }
0xa2: {  	_ =	swait.ge [sflag:s23], $0x1  }
0xa3: {  	[sflag:s23] =	ssyncset.done $0x0  }
0xa4: {  	s25 =	simm.s32 $0x1B8E;
	s24 =	sld [smem:$0x3FFE];
	[sflag:s23] =	ssyncadd.s32 $0xFFFFFFFF  }
0xa5: {  	s26 =	simm.s32 $execute0_lowered;
	[smem:$0x3FD2] =	sst s25  }
0xa6: {  	s4 =	sshll.u32 s26, $0x1;
	_ =	strace $0x80000046;
	[dreg:$0x1] =	wrdreg $0xFFFFFFFF  }
0xa7: {  	s28 =	simm.s32 $_size_execute0_lowered;
	s2 =	sadd.s32 s2, s4;
	[dreg:$0x0] =	wrdreg $0x0  }
0xa8: {  	s4 =	sshll.u32 s28, $0x1;
	[dreg:$0x2] =	wrdreg s2  }
0xa9: {  	[dreg:$0x3] =	wrdreg s4  }
0xaa: {  	[dreg:$0x4] =	wrdreg $0xC0  }
0xab: {  	_ =	task [dreg:s6], $0x5FFFF  }
0xac: {  	[dreg:$0x1] =	wrdreg $0xFFFFFFFF  }
0xad: {  	[dreg:$0x0] =	wrdreg $0x60  }
0xae: {  	[dreg:$0x2] =	wrdreg s24  }
0xaf: {  	[dreg:$0x3] =	wrdreg $0x9  }
0xb0: {  	_ =	task.clear_ibuf [dreg:s6], $0x4FFFF;
	_ =	strace $0x90000046  }
0xb1: {  	s29 =	simm.s32 $0x9;
	_ =	strace $0x80000048  }
0xb2: {  	_ =	swait.ge [sflag:s29], $0x1  }
0xb3: {  	[sflag:s29] =	ssyncadd.s32 $0xFFFFFFFF  }
0xb4: {  	_ =	strace $0x90000048  }
0xb5: {  	_ =	sfence  }
0xb6: {  	s30 =	sld [smem:$0x0];
	_ =	sdelay $0x2  }
0xb7: {  	s31 =	sshll.u32 s1, $0xD;
	s1 =	sshrl.u32 s1, $0x2  }
0xb8: {  	s3 =	sand.u32 $0x4000, s31;
	s1 =	sadd.s32 s1, s30  }
0xb9: {  	s0 =	sor.u32 s3, s0;
	s1 =	sshll.u32 s1, $0x11  }
0xba: {  	s0 =	sor.u32 s1, s0  }
0xbb: {  	s0 =	sadd.s32 $0x8F2B, s0  }
0xbc: {  	[sflag:s0] =	ssyncadd.remote.s32 $0x1  }
0xbd: {  	_ =	sfence.sel $0xFFFF  }
0xbe: {  	[dreg:$0x0] =	wrdreg $0xFFFFFFFF;
	(pc) =	sbr.abs _section_cstart, $3  }
0xbf: {  	[dreg:$0x1] =	wrdreg $0xFFFFFFFF  }
0xc0: {  	_ =	task.clear_ibuf [dreg:s6], $0x2FFFF;
	_ =	strace $0x9FFFFFFF  }
0xc1: {  	(tm) =	ssettm $0x7FFFFFFF  }
tec
execute0_lowered:
.L_overlay_start_1:
0x0: {  	(tag) =	ssettag $0x1  }
0x1: {  	s5 =	rddreg [dreg:$0x0]  }
0x2: {  	s0 =	rddreg [dreg:$0x1]  }
0x3: {  	s2 =	simm.s32 $0x0;
	s1 =	stileid.u32;
	s4 =	srdreg.scid  }
0x4: {  	s13 =	simm.s32 $0x4100;
	s14 =	simm.s32 $0x1;
	s15 =	simm.s32 $0x0  }
0x5: {  	[smem:$0x7FF] =	sst s2;
	s6 =	smul.u32 $0xC40, s1;
	s3 =	sadd.s32 $0x7CE00, s5  }
0x6: {  	s7 =	smul.u32 $0x62000, s1;
	s8 =	sand.u32 $0x1, s4;
	s4 =	sadd.s32 $0x1B200, s5  }
0x7: {  	_ =	strace $0x80000047;
	s9 =	ssub.s32 $0x2, s8;
	s10 =	smul.u32 $0x31000, s8  }
0x8: {  	s8 =	smul.u32 $0x620, s8;
	s7 =	sadd.s32 s7, s5;
	s11 =	sshrl.u32 s9, $0x1  }
0x9: {  	s12 =	sadd.s32 s6, s5;
	s30 =	ssub.s32 s9, s11;
	s7 =	sadd.s32 s10, s7  }
0xa: {  	s31 =	sadd.s32 s8, s12;
	s10 =	simm.s32 $0x2;
	s11 =	simm.s32 $0x80  }
0xb: {  	s12 =	simm.s32 $0x100;
	s5 =	smax.u32 s30, $0x1;
	s6 =	sadd.s32 $0x6FEA00, s7  }
0xc: {  	s7 =	sadd.s32 $0xDEA00, s7;
	s8 =	sadd.s32 $0xEE00, s31;
	s9 =	sadd.s32 $0x2A00, s31  }
.LBB2_1:
0xd: {  	s16 =	sadd.s32 $0x0, s9  }
0xe: {  	[tilespmem:s2], [sflag:$0x2] =	stream.linear.gather [hbm4b:s16+s2], $0x80, $0x38;
	[tilespmem:$0x8100] =	vst v63  }
0xf: {  	_ =	swait.ge [sflag:s10], $0x80  }
0x10: {  	[sflag:s10] =	ssyncset.done $0x0  }
0x11: {  	s31 =	sadd.s32 $0x0, s8;
	[sflag:s10] =	ssyncadd.s32 $0xFFFFFF80  }
0x12: {  	[tilespmem:s11], [sflag:$0x2] =	stream.linear.gather [hbm4b:s31+s2], $0x80, $0x38;
	[tilespmem:$0x8100] =	vst v63  }
0x13: {  	_ =	swait.ge [sflag:s10], $0x80  }
0x14: {  	[sflag:s10] =	ssyncset.done $0x0  }
0x15: {  	[sflag:s10] =	ssyncadd.s32 $0xFFFFFF80  }
0x16: {  	[tilespmem:s12], [sflag:$0x1] =	stream.indirect.gather [hbm4b:s3+s11], $0x80, s2, s11, $0xb8;
	[tilespmem:$0x8100] =	vst v63  }
0x17: {  	_ = 	snop  }
0x18: {  	[tilespmem:s13], [sflag:$0x1] =	stream.indirect.gather [hbm4b:s4+s11], $0x80, s11, s11, $0xb8;
	[tilespmem:$0x8100] =	vst v63  }
0x19: {  	_ =	swait.ge [sflag:s14], $0x4000  }
0x1a: {  	[sflag:s14] =	ssyncset.done $0x0  }
0x1b: {  	[sflag:s14] =	ssyncadd.s32 $0xFFFFC000  }
0x1c: {  	_ =	swait.ge [sflag:s14], $0x4000  }
0x1d: {  	[sflag:s14] =	ssyncset.done $0x0  }
0x1e: {  	[sflag:s14] =	ssyncadd.s32 $0xFFFFC000  }
0x1f: {  	[hbm4b:s7+s2] =	stream.linear.scatter [tilespmem:s12], [sflag:$0x2], $0x4000, $0x38;
	[tilespmem:$0x8100] =	vst v63  }
0x20: {  	_ =	swait.ge [sflag:s10], $0x4000  }
0x21: {  	[sflag:s10] =	ssyncset.done $0x0  }
0x22: {  	[sflag:s10] =	ssyncadd.s32 $0xFFFFC000  }
0x23: {  	[hbm4b:s6+s2] =	stream.linear.scatter [tilespmem:s13], [sflag:$0x2], $0x4000, $0x38;
	[tilespmem:$0x8100] =	vst v63  }
0x24: {  	s18 =	simm.s32 $0x10;
	s19 =	simm.s32 $0x20;
	_ =	swait.ge [sflag:s10], $0x4000  }
0x25: {  	s17 =	sadd.s32 $0x800, s7;
	s16 =	sadd.s32 $0x800, s6;
	[sflag:s10] =	ssyncset.done $0x0  }
.LBB2_2:
0x26: {  	s20 =	sadd.s32 s18, s9  }
0x27: {  	[sflag:s10] =	ssyncadd.s32 $0xFFFFC000;
	s21 =	smov.u32 s19;
	s22 =	sadd.s32 $0x10, s19  }
0x28: {  	[tilespmem:s2], [sflag:$0x2] =	stream.linear.gather [hbm4b:s20+s2], $0x80, $0x38;
	[tilespmem:$0x8100] =	vst v63  }
0x29: {  	p0 =	sne.s32 s19, $0x610;
	_ =	swait.ge [sflag:s10], $0x80  }
0x2a: {  	[sflag:s10] =	ssyncset.done $0x0  }
0x2b: {  	s19 =	sadd.s32 s18, s8;
	s18 =	smov.u32 s21;
	[sflag:s10] =	ssyncadd.s32 $0xFFFFFF80  }
0x2c: {  	[tilespmem:s11], [sflag:$0x2] =	stream.linear.gather [hbm4b:s19+s2], $0x80, $0x38;
	[tilespmem:$0x8100] =	vst v63  }
0x2d: {  	_ =	swait.ge [sflag:s10], $0x80  }
0x2e: {  	[sflag:s10] =	ssyncset.done $0x0  }
0x2f: {  	[sflag:s10] =	ssyncadd.s32 $0xFFFFFF80  }
0x30: {  	[tilespmem:s12], [sflag:$0x1] =	stream.indirect.gather [hbm4b:s3+s11], $0x80, s2, s11, $0xb8;
	[tilespmem:$0x8100] =	vst v63  }
0x31: {  	_ = 	snop  }
0x32: {  	[tilespmem:s13], [sflag:$0x1] =	stream.indirect.gather [hbm4b:s4+s11], $0x80, s11, s11, $0xb8;
	[tilespmem:$0x8100] =	vst v63  }
0x33: {  	_ =	swait.ge [sflag:s14], $0x4000  }
0x34: {  	[sflag:s14] =	ssyncset.done $0x0  }
0x35: {  	[sflag:s14] =	ssyncadd.s32 $0xFFFFC000  }
0x36: {  	_ =	swait.ge [sflag:s14], $0x4000  }
0x37: {  	[sflag:s14] =	ssyncset.done $0x0  }
0x38: {  	[sflag:s14] =	ssyncadd.s32 $0xFFFFC000  }
0x39: {  	[hbm4b:s17+s2] =	stream.linear.scatter [tilespmem:s12], [sflag:$0x2], $0x4000, $0x38;
	[tilespmem:$0x8100] =	vst v63  }
0x3a: {  	_ =	swait.ge [sflag:s10], $0x4000  }
.Ltmp0:
0x3b: {  	[sflag:s10] =	ssyncset.done $0x0;
	(pc) =	sbr.rel @p0 .LBB2_2-.Ltmp0, $4  }
0x3c: {  	[sflag:s10] =	ssyncadd.s32 $0xFFFFC000  }
0x3d: {  	[hbm4b:s16+s2] =	stream.linear.scatter [tilespmem:s13], [sflag:$0x2], $0x4000, $0x38;
	[tilespmem:$0x8100] =	vst v63  }
0x3e: {  	s19 =	smov.u32 s22;
	_ =	swait.ge [sflag:s10], $0x4000  }
0x3f: {  	s17 =	sadd.s32 $0x800, s17;
	s16 =	sadd.s32 $0x800, s16;
	[sflag:s10] =	ssyncset.done $0x0  }
0x40: {  	s19 =	sadd.s32 s18, s9;
	[sflag:s10] =	ssyncadd.s32 $0xFFFFC000  }
0x41: {  	[tilespmem:s2], [sflag:$0x2] =	stream.linear.gather [hbm4b:s19+s2], $0x80, $0x38;
	[tilespmem:$0x8100] =	vst v63  }
0x42: {  	_ =	swait.ge [sflag:s10], $0x80  }
0x43: {  	[sflag:s10] =	ssyncset.done $0x0  }
0x44: {  	s31 =	sadd.s32 s18, s8;
	[sflag:s10] =	ssyncadd.s32 $0xFFFFFF80  }
0x45: {  	[tilespmem:s11], [sflag:$0x2] =	stream.linear.gather [hbm4b:s31+s2], $0x80, $0x38;
	[tilespmem:$0x8100] =	vst v63  }
0x46: {  	_ =	swait.ge [sflag:s10], $0x80  }
0x47: {  	[sflag:s10] =	ssyncset.done $0x0  }
0x48: {  	[sflag:s10] =	ssyncadd.s32 $0xFFFFFF80  }
0x49: {  	[tilespmem:s12], [sflag:$0x1] =	stream.indirect.gather [hbm4b:s3+s11], $0x80, s2, s11, $0xb8;
	[tilespmem:$0x8100] =	vst v63  }
0x4a: {  	_ = 	snop  }
0x4b: {  	[tilespmem:s13], [sflag:$0x1] =	stream.indirect.gather [hbm4b:s4+s11], $0x80, s11, s11, $0xb8;
	[tilespmem:$0x8100] =	vst v63  }
0x4c: {  	_ =	swait.ge [sflag:s14], $0x4000  }
0x4d: {  	[sflag:s14] =	ssyncset.done $0x0  }
0x4e: {  	[sflag:s14] =	ssyncadd.s32 $0xFFFFC000  }
0x4f: {  	_ =	swait.ge [sflag:s14], $0x4000  }
0x50: {  	[sflag:s14] =	ssyncset.done $0x0  }
0x51: {  	[sflag:s14] =	ssyncadd.s32 $0xFFFFC000  }
0x52: {  	[hbm4b:s17+s2] =	stream.linear.scatter [tilespmem:s12], [sflag:$0x2], $0x4000, $0x38;
	[tilespmem:$0x8100] =	vst v63  }
0x53: {  	s15 =	sadd.s32 $0x1, s15;
	_ =	swait.ge [sflag:s10], $0x4000  }
0x54: {  	p0 =	sne.s32 s15, s5;
	[sflag:s10] =	ssyncset.done $0x0  }
.Ltmp1:
0x55: {  	[sflag:s10] =	ssyncadd.s32 $0xFFFFC000;
	(pc) =	sbr.rel @p0 .LBB2_1-.Ltmp1, $4  }
0x56: {  	[hbm4b:s16+s2] =	stream.linear.scatter [tilespmem:s13], [sflag:$0x2], $0x4000, $0x38;
	[tilespmem:$0x8100] =	vst v63  }
0x57: {  	_ =	swait.ge [sflag:s10], $0x4000  }
0x58: {  	[sflag:s10] =	ssyncset.done $0x0  }
0x59: {  	[sflag:s10] =	ssyncadd.s32 $0xFFFFC000  }
0x5a: {  	_ =	sfence.sel $0x180000  }
0x5b: {  	[bflag:$0x0] =	sbarrier.arrive $0xFFFF  }
0x5c: {  	p0 =	sne.s32 s1, $0x0;
	_ =	strace $0x90000047  }
0x5d: {  	s0 =	sadd.s32 @!p0 $0x100000, s0;
	[bflag:$0x2] =	sbarrier.arrive $0xFFFF  }
0x5e: {  	[sflag:s0] =	ssyncadd.tile.s32 @!p0 $0x1;
	_ =	shalt  }
.Lfunc_end2:
_tile_overlayer_lowered:
.L_overlay_start_2:
0x5f: {  	(tag) =	ssettag $0x2  }
0x60: {  	s0 =	rddreg [dreg:$0x0];
	s2 =	stileid.u32  }
0x61: {  	s1 =	rddreg [dreg:$0x1];
	p0 =	sne.s32 s2, $0x0  }
0x62: {  	s3 =	rddreg [dreg:$0x2];
	[bflag:$0x3] =	sbarrier.arrive $0xFFFF;
	s2 =	simm.s32 @!p0 $0x1C02  }
0x63: {  	[timem:s3], [sflag:s2] =	dma.local @!p0 [hbm:s0], s1  }
0x64: {  	s0 =	simm.s32 @!p0 $0x2  }
0x65: {  	_ =	swait.ge @!p0 [sflag:s0], s1  }
0x66: {  	s1 =	ssub.s32 @!p0 $0x0, s1;
	[sflag:s0] =	ssyncset.done @!p0 $0x0  }
0x67: {  	[sflag:s0] =	ssyncadd.s32 @!p0 s1  }
0x68: {  	[bflag:$0x3] =	sbarrier.arrive $0xFFFF  }
0x69: {  	_ =	shalt  }

</sc_bundles>
